<compile_context>
chip_gen: v7x
topology: tpu7x:2x2x1
jax: 0.10.2.dev20260603
libtpu: 0.0.44.dev20260713+nightly
codegen_flags: <defaults>
</compile_context>

<pallas_src>
import functools

import jax
import jax.numpy as jnp
from jax import lax
from jax.experimental import pallas as pl
from jax.experimental.pallas import tpu as pltpu
from jax.experimental.pallas import tpu_sc as plsc

_N = 16384
_D = 64
_K = 4096
_RT = 512
_W = 32


def _norms_body(x_ref, y_ref, ox_ref, oy_ref):
    for ref, out in ((x_ref, ox_ref), (y_ref, oy_ref)):
        t = ref[...].T
        sq = t * t
        P = sq[0:8, :]
        for g in range(1, 8):
            P = P + sq[8 * g:8 * g + 8, :]
        A1 = P[0:4, :] + P[4:8, :]
        A2 = A1[0:2, :] + A1[2:4, :]
        out[...] = A2[0, :] + A2[1, :]


def _norms(feat_select, feat_target):
    rt = 1024
    return pl.pallas_call(
        _norms_body,
        grid=(_N // rt,),
        in_specs=[pl.BlockSpec((rt, _D), lambda i: (i, 0)),
                  pl.BlockSpec((rt, _D), lambda i: (i, 0))],
        out_specs=[pl.BlockSpec((rt,), lambda i: (i,)),
                   pl.BlockSpec((rt,), lambda i: (i,))],
        out_shape=[jax.ShapeDtypeStruct((_N,), jnp.float32),
                   jax.ShapeDtypeStruct((_N,), jnp.float32)],
    )(feat_select, feat_target)


def _metric_body(x_ref, x2_ref, y_ref, y2_ref, o_ref):
    xt = x_ref[...]
    x2 = x2_ref[...][None, :]
    yt = y_ref[...]
    y2 = y2_ref[...][:, None]
    xy = jnp.dot(yt, xt.T, preferred_element_type=jnp.float32)
    d2 = (x2 + y2) - 2.0 * xy
    dist = jnp.sqrt(jnp.maximum(d2, 1e-12))
    D4 = dist.reshape(_W, (_N // _W) // 8, 8, _RT)
    P = jnp.sum(D4, axis=1)
    A1 = P[:, 0:4, :] + P[:, 4:8, :]
    A2 = A1[:, 0:2, :] + A1[:, 2:4, :]
    A3 = A2[:, 0, :] + A2[:, 1, :]
    m = A3[0]
    for w in range(1, _W):
        m = m + A3[w]
    o_ref[...] = m


def _metric(feat_select, feat_target, x2, y2):
    return pl.pallas_call(
        _metric_body,
        grid=(_N // _RT,),
        in_specs=[pl.BlockSpec((_RT, _D), lambda i: (i, 0)),
                  pl.BlockSpec((_RT,), lambda i: (i,)),
                  pl.BlockSpec((_N, _D), lambda i: (0, 0)),
                  pl.BlockSpec((_N,), lambda i: (0,))],
        out_specs=pl.BlockSpec((_RT,), lambda i: (i,)),
        out_shape=jax.ShapeDtypeStruct((_N,), jnp.float32),
    )(feat_select, x2, feat_target, y2)


def _select_body(k_ref, p_ref):
    keys = k_ref[...].reshape(128, 128)

    def bit_step(t, T):
        cand = T | (1 << (30 - t))
        n_ge = jnp.sum((keys >= cand).astype(jnp.int32))
        return jnp.where(n_ge >= _K, cand, T)

    T = jax.lax.fori_loop(0, 31, bit_step, jnp.int32(0))
    n_gt = jnp.sum((keys > T).astype(jnp.int32))
    ties_needed = _K - n_gt

    rr = lax.broadcasted_iota(jnp.int32, (128, 128), 0)
    cc = lax.broadcasted_iota(jnp.int32, (128, 128), 1)
    U = (rr < cc).astype(jnp.float32)

    def excl_prefix(mask_f32):
        pre = jnp.dot(mask_f32, U, preferred_element_type=jnp.float32)
        rows = jnp.sum(mask_f32, axis=-1)
        row_off = jnp.dot(rows[None, :], U, preferred_element_type=jnp.float32)[0]
        return row_off[:, None] + pre

    eq = keys == T
    eq_before = excl_prefix(eq.astype(jnp.float32)).astype(jnp.int32)
    sel = (keys > T) | (eq & (eq_before < ties_needed))
    pos = excl_prefix(sel.astype(jnp.float32)).astype(jnp.int32)
    p_ref[...] = jnp.where(sel, pos, _K).reshape(_N)


def _select(keys):
    return pl.pallas_call(
        _select_body,
        out_shape=jax.ShapeDtypeStruct((_N,), jnp.int32),
    )(keys)


_RANK_T = 1024


def _rank_body(ka_ref, kb_ref, r_ref):
    i = pl.program_id(0)
    ka = ka_ref[...][:, None]
    kb = kb_ref[...][None, :]
    a_idx = i * _RANK_T + lax.broadcasted_iota(jnp.int32, (_RANK_T, _K), 0)
    b_idx = lax.broadcasted_iota(jnp.int32, (_RANK_T, _K), 1)
    gt = (kb > ka) | ((kb == ka) & (b_idx < a_idx))
    r_ref[...] = jnp.sum(gt.astype(jnp.int32), axis=-1)


def _rank(cand_key):
    return pl.pallas_call(
        _rank_body,
        grid=(_K // _RANK_T,),
        in_specs=[pl.BlockSpec((_RANK_T,), lambda i: (i,)),
                  pl.BlockSpec((_K,), lambda i: (0,))],
        out_specs=pl.BlockSpec((_RANK_T,), lambda i: (i,)),
        out_shape=jax.ShapeDtypeStruct((_K,), jnp.int32),
    )(cand_key, cand_key)


_SC_INFO = plsc.get_sparse_core_info()
_NC = _SC_INFO.num_cores
_NS = _SC_INFO.num_subcores
_NW = _NC * _NS
_SC_MESH = plsc.VectorSubcoreMesh(core_axis_name="c", subcore_axis_name="s")
_CCH = _N // _NS
_FCH = _K // _NW
_ICH = _K // _NS


@functools.partial(
    pl.kernel, mesh=_SC_MESH,
    out_type=[jax.ShapeDtypeStruct((_K + 1,), jnp.int32),
              jax.ShapeDtypeStruct((_K + 1,), jnp.int32)],
    scratch_types=[pltpu.VMEM((_CCH // 128, 128), jnp.int32),
                   pltpu.VMEM((_CCH // 128, 128), jnp.int32),
                   pltpu.VMEM((_CCH // 128, 128), jnp.int32),
                   pltpu.VMEM_SHARED((_K + 1,), jnp.int32),
                   pltpu.VMEM_SHARED((_K + 1,), jnp.int32)],
)
def _sc_compact(keys_hbm, p_hbm, iota_hbm, cidx_hbm, ckey_hbm,
                keys_v, p_v, iota_v, cidx_sh, ckey_sh):
    cid = lax.axis_index("c")
    sid = lax.axis_index("s")
    nrows = _CCH // 128

    @pl.when(cid == 0)
    def _():
        base = sid * nrows
        pltpu.sync_copy(p_hbm.at[pl.ds(base, nrows)], p_v)
        pltpu.sync_copy(keys_hbm.at[pl.ds(base, nrows)], keys_v)
        pltpu.sync_copy(iota_hbm.at[pl.ds(base, nrows)], iota_v)
        for j in range(nrows):
            pltpu.sync_copy(iota_v.at[j], cidx_sh.at[p_v.at[j]])
            pltpu.sync_copy(keys_v.at[j], ckey_sh.at[p_v.at[j]])
        plsc.subcore_barrier()
        ob = sid * (_K // _NS)
        pltpu.sync_copy(cidx_sh.at[pl.ds(ob, _K // _NS)],
                        cidx_hbm.at[pl.ds(ob, _K // _NS)])
        pltpu.sync_copy(ckey_sh.at[pl.ds(ob, _K // _NS)],
                        ckey_hbm.at[pl.ds(ob, _K // _NS)])


@functools.partial(
    pl.kernel, mesh=_SC_MESH,
    out_type=jax.ShapeDtypeStruct((_K, 128), jnp.float32),
    scratch_types=[pltpu.VMEM((_FCH,), jnp.int32),
                   pltpu.VMEM((_FCH, 128), jnp.float32),
                   pltpu.SemaphoreType.DMA],
)
def _sc_gather(feat_hbm, cidx_hbm, rowsg_hbm, cidx_v, rows_v, sem1):
    cid = lax.axis_index("c")
    sid = lax.axis_index("s")
    wid = sid * _NC + cid
    pltpu.sync_copy(cidx_hbm.at[wid], cidx_v)
    pltpu.async_copy(feat_hbm.at[cidx_v], rows_v, sem1).wait()
    pltpu.sync_copy(rows_v, rowsg_hbm.at[pl.ds(wid * _FCH, _FCH)])


@functools.partial(
    pl.kernel, mesh=_SC_MESH,
    out_type=[jax.ShapeDtypeStruct((_K,), jnp.int32),
              jax.ShapeDtypeStruct((_K, 128), jnp.float32)],
    scratch_types=[pltpu.VMEM((_FCH,), jnp.int32),
                   pltpu.VMEM((_FCH, 128), jnp.float32),
                   pltpu.VMEM((_ICH // 128, 128), jnp.int32),
                   pltpu.VMEM((_ICH // 128, 128), jnp.int32),
                   pltpu.VMEM_SHARED((_K,), jnp.int32),
                   pltpu.SemaphoreType.DMA],
)
def _sc_scatter(rowsg_hbm, cidx_hbm, r_hbm, oidx_hbm, osel_hbm,
                r_v, rows_v, cidx2_v, r2_v, oidx_sh, sem1):
    cid = lax.axis_index("c")
    sid = lax.axis_index("s")
    wid = sid * _NC + cid
    pltpu.sync_copy(r_hbm.at[wid], r_v)
    pltpu.sync_copy(rowsg_hbm.at[pl.ds(wid * _FCH, _FCH)], rows_v)
    pltpu.async_copy(rows_v, osel_hbm.at[r_v], sem1).wait()

    @pl.when(cid == 0)
    def _():
        nrows = _ICH // 128
        base2 = sid * nrows
        pltpu.sync_copy(cidx_hbm.at[pl.ds(base2, nrows)], cidx2_v)
        pltpu.sync_copy(r_hbm.at[pl.ds(base2, nrows)], r2_v)
        for j in range(nrows):
            pltpu.sync_copy(cidx2_v.at[j], oidx_sh.at[r2_v.at[j]])
        plsc.subcore_barrier()
        ob = sid * _ICH
        pltpu.sync_copy(oidx_sh.at[pl.ds(ob, _ICH)],
                        oidx_hbm.at[pl.ds(ob, _ICH)])


def kernel(feat_select, feat_target, k):
    x2, y2 = _norms(feat_select, feat_target)
    m = _metric(feat_select, feat_target, x2, y2)
    keys = jax.lax.bitcast_convert_type(m, jnp.int32)
    p = _select(keys)
    iota = jax.lax.iota(jnp.int32, _N)
    cidx_full, ckey_full = _sc_compact(keys.reshape(_N // 128, 128),
                                       p.reshape(_N // 128, 128),
                                       iota.reshape(_N // 128, 128))
    cidx = cidx_full[:_K]
    ckey = ckey_full[:_K]
    feat128 = jnp.pad(feat_select, ((0, 0), (0, 128 - _D)))
    cidx2d = cidx.reshape(_K // 128, 128)
    rows_g = _sc_gather(feat128, cidx2d)
    r = _rank(ckey)
    idx, sel128 = _sc_scatter(rows_g, cidx2d, r.reshape(_K // 128, 128))
    return sel128[:, :_D], idx

# --- scband reference (transcript-rebuilt; emitter-appended) ---
"""Pipeline reference for scband-megafeature-extractor-61701500175293 (READ-ONLY COPY).

The authoritative reference and input builder live on the scoring server;
editing this copy changes nothing except your own understanding.
"""

import jax, jax.numpy as jnp
import numpy as np


def _cdist(x, y):
    # torch.cdist(x, y, p=2.0) equivalent
    x2 = jnp.sum(x * x, axis=-1, keepdims=True)          # [Q, 1]
    y2 = jnp.sum(y * y, axis=-1, keepdims=True).T        # [1, K]
    d2 = x2 + y2 - 2.0 * (x @ y.T)                       # [Q, K]
    return jnp.sqrt(jnp.maximum(d2, 1e-12))


def setup_inputs(seed: int = 0) -> dict:
    key = jax.random.key(seed)
    k1, k2 = jax.random.split(key)
    feat_select = jax.random.normal(k1, (16384, 64), dtype=jnp.float32)
    feat_target = jax.random.normal(k2, (16384, 64), dtype=jnp.float32)
    return {"feat_select": feat_select, "feat_target": feat_target, "k": 4096}


def reference(feat_select, feat_target, k):
    # Faithful translation of MEGA's select_farthest_k (reciprocal=False):
    #   distance = cdist(feat_select, feat_target, p=2)
    #   metric   = distance.sum(-1)
    #   _, idx   = metric.topk(k, largest=True, sorted=False)
    # then gather the selected memory features.
    distance = _cdist(feat_select, feat_target)          # [Q, K]
    metric = jnp.sum(distance, axis=-1)                  # [Q]
    k_static = 4096
    _, idx_to_be_remained = jax.lax.top_k(metric, k_static)  # [k]
    idx_to_be_remained = idx_to_be_remained + (k - k)
    selected = jnp.take(feat_select, idx_to_be_remained, axis=0)  # [k, d]
    return selected, idx_to_be_remained

if __name__ == "__main__":
    import jax
    _d = setup_inputs()
    print(jax.jit(kernel)(*tuple(_d.values())))

</pallas_src>

<mosaic_0001>
#map = affine_map<(d0, d1) -> (0, 0)>
module attributes {stable_mosaic.version = 14 : i64} {
  func.func @_sc_gather(%arg0: i32, %arg1: i32, %arg2: memref<16384x128xf32, #tpu.memory_space<hbm>>, %arg3: memref<32x128xi32, #tpu.memory_space<hbm>>, %arg4: memref<4096x128xf32, #tpu.memory_space<hbm>>, %arg5: memref<128xi32, #tpu.memory_space<vmem>>, %arg6: memref<128x128xf32, #tpu.memory_space<vmem>>, %arg7: memref<!tpu.dma_semaphore, #tpu.memory_space<semaphore_mem>>) attributes {dimension_semantics = [#tpu.dimension_semantics<core_parallel>, #tpu.dimension_semantics<subcore_parallel>], iteration_bounds = array<i64: 2, 16>, scalar_prefetch = 0 : i64, scratch_operands = 3 : i64, tpu.core_type = #tpu.core_type<sc_vector_subcore>, window_params = [{transform_indices = #map}, {transform_indices = #map}, {transform_indices = #map}]} {
    %mul3A = arith.constant 2 : i32
    %mul3A_0 = arith.muli %arg1, %mul3A : i32
    %add3A = arith.addi %mul3A_0, %arg0 : i32
    "tpu.region"() ({
      %run_scoped3A = tpu.sem_alloc : memref<!tpu.dma_semaphore, #tpu.memory_space<semaphore_mem>>
      %dma_start3A_7 = arith.constant 0 : i32
      %dma_start3A_8 = tpu.memref_slice %arg3[%add3A, %dma_start3A_7] : memref<32x128xi32, #tpu.memory_space<hbm>> -> memref<1x128xi32, #tpu.memory_space<hbm>>
      %dma_start3A_9 = tpu.memref_squeeze %dma_start3A_8 : memref<1x128xi32, #tpu.memory_space<hbm>> -> memref<128xi32, #tpu.memory_space<hbm>>
      %dma_start3A_10 = arith.constant 0 : i32
      %dma_start3A_11 = tpu.memref_slice %arg3[%add3A, %dma_start3A_10] : memref<32x128xi32, #tpu.memory_space<hbm>> -> memref<1x128xi32, #tpu.memory_space<hbm>>
      %dma_start3A_12 = tpu.memref_squeeze %dma_start3A_11 : memref<1x128xi32, #tpu.memory_space<hbm>> -> memref<128xi32, #tpu.memory_space<hbm>>
      tpu.enqueue_dma source(%dma_start3A_12 : memref<128xi32, #tpu.memory_space<hbm>>) target(%arg5 : memref<128xi32, #tpu.memory_space<vmem>>) target_semaphore(%run_scoped3A : memref<!tpu.dma_semaphore, #tpu.memory_space<semaphore_mem>>)
      %dma_wait3A_13 = arith.constant 0 : i32
      %dma_wait3A_14 = tpu.memref_slice %arg3[%add3A, %dma_wait3A_13] : memref<32x128xi32, #tpu.memory_space<hbm>> -> memref<1x128xi32, #tpu.memory_space<hbm>>
      %dma_wait3A_15 = tpu.memref_squeeze %dma_wait3A_14 : memref<1x128xi32, #tpu.memory_space<hbm>> -> memref<128xi32, #tpu.memory_space<hbm>>
      %dma_wait3A_16 = arith.constant 0 : i32
      %dma_wait3A_17 = tpu.memref_slice %arg3[%add3A, %dma_wait3A_16] : memref<32x128xi32, #tpu.memory_space<hbm>> -> memref<1x128xi32, #tpu.memory_space<hbm>>
      %dma_wait3A_18 = tpu.memref_squeeze %dma_wait3A_17 : memref<1x128xi32, #tpu.memory_space<hbm>> -> memref<128xi32, #tpu.memory_space<hbm>>
      tpu.wait_dma2 semaphore(%run_scoped3A : memref<!tpu.dma_semaphore, #tpu.memory_space<semaphore_mem>>) src(%dma_wait3A_18 : memref<128xi32, #tpu.memory_space<hbm>>) dst(%arg5 : memref<128xi32, #tpu.memory_space<vmem>>)
      tpu.yield
    }) : () -> ()
    %dma_start3A = arith.constant 0 : i32
    %dma_start3A_1 = arith.constant 0 : i32
    %dma_start3A_2 = tpu.memref_slice %arg2[%dma_start3A, %dma_start3A_1] : memref<16384x128xf32, #tpu.memory_space<hbm>> -> memref<16384x128xf32, #tpu.memory_space<hbm>>
    tpu.enqueue_indirect_dma source(%dma_start3A_2 : memref<16384x128xf32, #tpu.memory_space<hbm>>) target(%arg6 : memref<128x128xf32, #tpu.memory_space<vmem>>) offsets(%arg5 : memref<128xi32, #tpu.memory_space<vmem>>) semaphore(%arg7 : memref<!tpu.dma_semaphore, #tpu.memory_space<semaphore_mem>>)
    %dma_wait3A = arith.constant 0 : i32
    %dma_wait3A_3 = arith.constant 0 : i32
    %dma_wait3A_4 = tpu.memref_slice %arg2[%dma_wait3A, %dma_wait3A_3] : memref<16384x128xf32, #tpu.memory_space<hbm>> -> memref<16384x128xf32, #tpu.memory_space<hbm>>
    tpu.wait_indirect_dma semaphore(%arg7 : memref<!tpu.dma_semaphore, #tpu.memory_space<semaphore_mem>>) src(%dma_wait3A_4 : memref<16384x128xf32, #tpu.memory_space<hbm>>) dst(%arg6 : memref<128x128xf32, #tpu.memory_space<vmem>>)
    %mul3A_5 = arith.constant 128 : i32
    %mul3A_6 = arith.muli %add3A, %mul3A_5 : i32
    "tpu.region"() ({
      %run_scoped3A = tpu.sem_alloc : memref<!tpu.dma_semaphore, #tpu.memory_space<semaphore_mem>>
      %dma_start3A_7 = arith.constant 0 : i32
      %dma_start3A_8 = tpu.memref_slice %arg4[%mul3A_6, %dma_start3A_7] : memref<4096x128xf32, #tpu.memory_space<hbm>> -> memref<128x128xf32, #tpu.memory_space<hbm>>
      %dma_start3A_9 = arith.constant 0 : i32
      %dma_start3A_10 = tpu.memref_slice %arg4[%mul3A_6, %dma_start3A_9] : memref<4096x128xf32, #tpu.memory_space<hbm>> -> memref<128x128xf32, #tpu.memory_space<hbm>>
      tpu.enqueue_dma source(%arg6 : memref<128x128xf32, #tpu.memory_space<vmem>>) target(%dma_start3A_10 : memref<128x128xf32, #tpu.memory_space<hbm>>) target_semaphore(%run_scoped3A : memref<!tpu.dma_semaphore, #tpu.memory_space<semaphore_mem>>)
      %dma_wait3A_11 = arith.constant 0 : i32
      %dma_wait3A_12 = tpu.memref_slice %arg4[%mul3A_6, %dma_wait3A_11] : memref<4096x128xf32, #tpu.memory_space<hbm>> -> memref<128x128xf32, #tpu.memory_space<hbm>>
      %dma_wait3A_13 = arith.constant 0 : i32
      %dma_wait3A_14 = tpu.memref_slice %arg4[%mul3A_6, %dma_wait3A_13] : memref<4096x128xf32, #tpu.memory_space<hbm>> -> memref<128x128xf32, #tpu.memory_space<hbm>>
      tpu.wait_dma2 semaphore(%run_scoped3A : memref<!tpu.dma_semaphore, #tpu.memory_space<semaphore_mem>>) src(%arg6 : memref<128x128xf32, #tpu.memory_space<vmem>>) dst(%dma_wait3A_14 : memref<128x128xf32, #tpu.memory_space<hbm>>)
      tpu.yield
    }) : () -> ()
    return
  }
}

#map = affine_map<(d0, d1) -> (0, 0)>
#map1 = affine_map<(d0, d1) -> (0)>
module attributes {stable_mosaic.version = 14 : i64} {
  func.func @_sc_compact(%arg0: i32, %arg1: i32, %arg2: memref<128x128xi32, #tpu.memory_space<hbm>>, %arg3: memref<128x128xi32, #tpu.memory_space<hbm>>, %arg4: memref<128x128xi32, #tpu.memory_space<hbm>>, %arg5: memref<4097xi32, #tpu.memory_space<hbm>>, %arg6: memref<4097xi32, #tpu.memory_space<hbm>>, %arg7: memref<8x128xi32, #tpu.memory_space<vmem>>, %arg8: memref<8x128xi32, #tpu.memory_space<vmem>>, %arg9: memref<8x128xi32, #tpu.memory_space<vmem>>, %arg10: memref<4097xi32, #tpu.memory_space<vmem_shared>>, %arg11: memref<4097xi32, #tpu.memory_space<vmem_shared>>) attributes {dimension_semantics = [#tpu.dimension_semantics<core_parallel>, #tpu.dimension_semantics<subcore_parallel>], iteration_bounds = array<i64: 2, 16>, scalar_prefetch = 0 : i64, scratch_operands = 5 : i64, tpu.core_type = #tpu.core_type<sc_vector_subcore>, window_params = [{transform_indices = #map}, {transform_indices = #map}, {transform_indices = #map}, {transform_indices = #map1}, {transform_indices = #map1}]} {
    %eq3A = arith.constant 0 : i32
    %eq3A_0 = arith.cmpi eq, %arg0, %eq3A : i32
    %convert_element_type3A = arith.extui %eq3A_0 : i1 to i32
    %cond3A = arith.constant 0 : i32
    %cond3A_1 = arith.cmpi ne, %convert_element_type3A, %cond3A : i32
    scf.if %cond3A_1 {
      %mul3A = arith.constant 8 : i32
      %mul3A_2 = arith.muli %arg1, %mul3A : i32
      "tpu.region"() ({
        %run_scoped3A_36 = tpu.sem_alloc : memref<!tpu.dma_semaphore, #tpu.memory_space<semaphore_mem>>
        %dma_start3A = arith.constant 0 : i32
        %dma_start3A_37 = tpu.memref_slice %arg3[%mul3A_2, %dma_start3A] : memref<128x128xi32, #tpu.memory_space<hbm>> -> memref<8x128xi32, #tpu.memory_space<hbm>>
        %dma_start3A_38 = arith.constant 0 : i32
        %dma_start3A_39 = tpu.memref_slice %arg3[%mul3A_2, %dma_start3A_38] : memref<128x128xi32, #tpu.memory_space<hbm>> -> memref<8x128xi32, #tpu.memory_space<hbm>>
        tpu.enqueue_dma source(%dma_start3A_39 : memref<8x128xi32, #tpu.memory_space<hbm>>) target(%arg8 : memref<8x128xi32, #tpu.memory_space<vmem>>) target_semaphore(%run_scoped3A_36 : memref<!tpu.dma_semaphore, #tpu.memory_space<semaphore_mem>>)
        %dma_wait3A = arith.constant 0 : i32
        %dma_wait3A_40 = tpu.memref_slice %arg3[%mul3A_2, %dma_wait3A] : memref<128x128xi32, #tpu.memory_space<hbm>> -> memref<8x128xi32, #tpu.memory_space<hbm>>
        %dma_wait3A_41 = arith.constant 0 : i32
        %dma_wait3A_42 = tpu.memref_slice %arg3[%mul3A_2, %dma_wait3A_41] : memref<128x128xi32, #tpu.memory_space<hbm>> -> memref<8x128xi32, #tpu.memory_space<hbm>>
        tpu.wait_dma2 semaphore(%run_scoped3A_36 : memref<!tpu.dma_semaphore, #tpu.memory_space<semaphore_mem>>) src(%dma_wait3A_42 : memref<8x128xi32, #tpu.memory_space<hbm>>) dst(%arg8 : memref<8x128xi32, #tpu.memory_space<vmem>>)
        tpu.yield
      }) : () -> ()
      "tpu.region"() ({
        %run_scoped3A_36 = tpu.sem_alloc : memref<!tpu.dma_semaphore, #tpu.memory_space<semaphore_mem>>
        %dma_start3A = arith.constant 0 : i32
        %dma_start3A_37 = tpu.memref_slice %arg2[%mul3A_2, %dma_start3A] : memref<128x128xi32, #tpu.memory_space<hbm>> -> memref<8x128xi32, #tpu.memory_space<hbm>>
        %dma_start3A_38 = arith.constant 0 : i32
        %dma_start3A_39 = tpu.memref_slice %arg2[%mul3A_2, %dma_start3A_38] : memref<128x128xi32, #tpu.memory_space<hbm>> -> memref<8x128xi32, #tpu.memory_space<hbm>>
        tpu.enqueue_dma source(%dma_start3A_39 : memref<8x128xi32, #tpu.memory_space<hbm>>) target(%arg7 : memref<8x128xi32, #tpu.memory_space<vmem>>) target_semaphore(%run_scoped3A_36 : memref<!tpu.dma_semaphore, #tpu.memory_space<semaphore_mem>>)
        %dma_wait3A = arith.constant 0 : i32
        %dma_wait3A_40 = tpu.memref_slice %arg2[%mul3A_2, %dma_wait3A] : memref<128x128xi32, #tpu.memory_space<hbm>> -> memref<8x128xi32, #tpu.memory_space<hbm>>
        %dma_wait3A_41 = arith.constant 0 : i32
        %dma_wait3A_42 = tpu.memref_slice %arg2[%mul3A_2, %dma_wait3A_41] : memref<128x128xi32, #tpu.memory_space<hbm>> -> memref<8x128xi32, #tpu.memory_space<hbm>>
        tpu.wait_dma2 semaphore(%run_scoped3A_36 : memref<!tpu.dma_semaphore, #tpu.memory_space<semaphore_mem>>) src(%dma_wait3A_42 : memref<8x128xi32, #tpu.memory_space<hbm>>) dst(%arg7 : memref<8x128xi32, #tpu.memory_space<vmem>>)
        tpu.yield
      }) : () -> ()
      "tpu.region"() ({
        %run_scoped3A_36 = tpu.sem_alloc : memref<!tpu.dma_semaphore, #tpu.memory_space<semaphore_mem>>
        %dma_start3A = arith.constant 0 : i32
        %dma_start3A_37 = tpu.memref_slice %arg4[%mul3A_2, %dma_start3A] : memref<128x128xi32, #tpu.memory_space<hbm>> -> memref<8x128xi32, #tpu.memory_space<hbm>>
        %dma_start3A_38 = arith.constant 0 : i32
        %dma_start3A_39 = tpu.memref_slice %arg4[%mul3A_2, %dma_start3A_38] : memref<128x128xi32, #tpu.memory_space<hbm>> -> memref<8x128xi32, #tpu.memory_space<hbm>>
        tpu.enqueue_dma source(%dma_start3A_39 : memref<8x128xi32, #tpu.memory_space<hbm>>) target(%arg9 : memref<8x128xi32, #tpu.memory_space<vmem>>) target_semaphore(%run_scoped3A_36 : memref<!tpu.dma_semaphore, #tpu.memory_space<semaphore_mem>>)
        %dma_wait3A = arith.constant 0 : i32
        %dma_wait3A_40 = tpu.memref_slice %arg4[%mul3A_2, %dma_wait3A] : memref<128x128xi32, #tpu.memory_space<hbm>> -> memref<8x128xi32, #tpu.memory_space<hbm>>
        %dma_wait3A_41 = arith.constant 0 : i32
        %dma_wait3A_42 = tpu.memref_slice %arg4[%mul3A_2, %dma_wait3A_41] : memref<128x128xi32, #tpu.memory_space<hbm>> -> memref<8x128xi32, #tpu.memory_space<hbm>>
        tpu.wait_dma2 semaphore(%run_scoped3A_36 : memref<!tpu.dma_semaphore, #tpu.memory_space<semaphore_mem>>) src(%dma_wait3A_42 : memref<8x128xi32, #tpu.memory_space<hbm>>) dst(%arg9 : memref<8x128xi32, #tpu.memory_space<vmem>>)
        tpu.yield
      }) : () -> ()
      %run_scoped3A = arith.constant 0 : i32
      %run_scoped3A_3 = arith.constant 0 : i32
      "tpu.region"() ({
        %run_scoped3A_36 = tpu.sem_alloc : memref<!tpu.dma_semaphore, #tpu.memory_space<semaphore_mem>>
        %dma_start3A = arith.constant 0 : i32
        %dma_start3A_37 = tpu.memref_slice %arg9[%run_scoped3A, %dma_start3A] : memref<8x128xi32, #tpu.memory_space<vmem>> -> memref<1x128xi32, #tpu.memory_space<vmem>>
        %dma_start3A_38 = tpu.memref_squeeze %dma_start3A_37 : memref<1x128xi32, #tpu.memory_space<vmem>> -> memref<128xi32, #tpu.memory_space<vmem>>
        %dma_start3A_39 = arith.constant 0 : i32
        %dma_start3A_40 = tpu.memref_slice %arg8[%run_scoped3A_3, %dma_start3A_39] : memref<8x128xi32, #tpu.memory_space<vmem>> -> memref<1x128xi32, #tpu.memory_space<vmem>>
        %dma_start3A_41 = tpu.memref_squeeze %dma_start3A_40 : memref<1x128xi32, #tpu.memory_space<vmem>> -> memref<128xi32, #tpu.memory_space<vmem>>
        %dma_start3A_42 = arith.constant 0 : i32
        %dma_start3A_43 = tpu.memref_slice %arg10[%dma_start3A_42] : memref<4097xi32, #tpu.memory_space<vmem_shared>> -> memref<4097xi32, #tpu.memory_space<vmem_shared>>
        tpu.enqueue_indirect_dma source(%dma_start3A_38 : memref<128xi32, #tpu.memory_space<vmem>>) target(%dma_start3A_43 : memref<4097xi32, #tpu.memory_space<vmem_shared>>) offsets(%dma_start3A_41 : memref<128xi32, #tpu.memory_space<vmem>>) semaphore(%run_scoped3A_36 : memref<!tpu.dma_semaphore, #tpu.memory_space<semaphore_mem>>)
        %dma_wait3A = arith.constant 0 : i32
        %dma_wait3A_44 = tpu.memref_slice %arg9[%run_scoped3A, %dma_wait3A] : memref<8x128xi32, #tpu.memory_space<vmem>> -> memref<1x128xi32, #tpu.memory_space<vmem>>
        %dma_wait3A_45 = tpu.memref_squeeze %dma_wait3A_44 : memref<1x128xi32, #tpu.memory_space<vmem>> -> memref<128xi32, #tpu.memory_space<vmem>>
        %dma_wait3A_46 = arith.constant 0 : i32
        %dma_wait3A_47 = tpu.memref_slice %arg8[%run_scoped3A_3, %dma_wait3A_46] : memref<8x128xi32, #tpu.memory_space<vmem>> -> memref<1x128xi32, #tpu.memory_space<vmem>>
        %dma_wait3A_48 = tpu.memref_squeeze %dma_wait3A_47 : memref<1x128xi32, #tpu.memory_space<vmem>> -> memref<128xi32, #tpu.memory_space<vmem>>
        %dma_wait3A_49 = arith.constant 0 : i32
        %dma_wait3A_50 = tpu.memref_slice %arg10[%dma_wait3A_49] : memref<4097xi32, #tpu.memory_space<vmem_shared>> -> memref<4097xi32, #tpu.memory_space<vmem_shared>>
        tpu.wait_indirect_dma semaphore(%run_scoped3A_36 : memref<!tpu.dma_semaphore, #tpu.memory_space<semaphore_mem>>) src(%dma_wait3A_45 : memref<128xi32, #tpu.memory_space<vmem>>) dst(%dma_wait3A_50 : memref<4097xi32, #tpu.memory_space<vmem_shared>>)
        tpu.yield
      }) : () -> ()
      %run_scoped3A_4 = arith.constant 0 : i32
      %run_scoped3A_5 = arith.constant 0 : i32
      "tpu.region"() ({
        %run_scoped3A_36 = tpu.sem_alloc : memref<!tpu.dma_semaphore, #tpu.memory_space<semaphore_mem>>
        %dma_start3A = arith.constant 0 : i32
        %dma_start3A_37 = tpu.memref_slice %arg7[%run_scoped3A_4, %dma_start3A] : memref<8x128xi32, #tpu.memory_space<vmem>> -> memref<1x128xi32, #tpu.memory_space<vmem>>
        %dma_start3A_38 = tpu.memref_squeeze %dma_start3A_37 : memref<1x128xi32, #tpu.memory_space<vmem>> -> memref<128xi32, #tpu.memory_space<vmem>>
        %dma_start3A_39 = arith.constant 0 : i32
        %dma_start3A_40 = tpu.memref_slice %arg8[%run_scoped3A_5, %dma_start3A_39] : memref<8x128xi32, #tpu.memory_space<vmem>> -> memref<1x128xi32, #tpu.memory_space<vmem>>
        %dma_start3A_41 = tpu.memref_squeeze %dma_start3A_40 : memref<1x128xi32, #tpu.memory_space<vmem>> -> memref<128xi32, #tpu.memory_space<vmem>>
        %dma_start3A_42 = arith.constant 0 : i32
        %dma_start3A_43 = tpu.memref_slice %arg11[%dma_start3A_42] : memref<4097xi32, #tpu.memory_space<vmem_shared>> -> memref<4097xi32, #tpu.memory_space<vmem_shared>>
        tpu.enqueue_indirect_dma source(%dma_start3A_38 : memref<128xi32, #tpu.memory_space<vmem>>) target(%dma_start3A_43 : memref<4097xi32, #tpu.memory_space<vmem_shared>>) offsets(%dma_start3A_41 : memref<128xi32, #tpu.memory_space<vmem>>) semaphore(%run_scoped3A_36 : memref<!tpu.dma_semaphore, #tpu.memory_space<semaphore_mem>>)
        %dma_wait3A = arith.constant 0 : i32
        %dma_wait3A_44 = tpu.memref_slice %arg7[%run_scoped3A_4, %dma_wait3A] : memref<8x128xi32, #tpu.memory_space<vmem>> -> memref<1x128xi32, #tpu.memory_space<vmem>>
        %dma_wait3A_45 = tpu.memref_squeeze %dma_wait3A_44 : memref<1x128xi32, #tpu.memory_space<vmem>> -> memref<128xi32, #tpu.memory_space<vmem>>
        %dma_wait3A_46 = arith.constant 0 : i32
        %dma_wait3A_47 = tpu.memref_slice %arg8[%run_scoped3A_5, %dma_wait3A_46] : memref<8x128xi32, #tpu.memory_space<vmem>> -> memref<1x128xi32, #tpu.memory_space<vmem>>
        %dma_wait3A_48 = tpu.memref_squeeze %dma_wait3A_47 : memref<1x128xi32, #tpu.memory_space<vmem>> -> memref<128xi32, #tpu.memory_space<vmem>>
        %dma_wait3A_49 = arith.constant 0 : i32
        %dma_wait3A_50 = tpu.memref_slice %arg11[%dma_wait3A_49] : memref<4097xi32, #tpu.memory_space<vmem_shared>> -> memref<4097xi32, #tpu.memory_space<vmem_shared>>
        tpu.wait_indirect_dma semaphore(%run_scoped3A_36 : memref<!tpu.dma_semaphore, #tpu.memory_space<semaphore_mem>>) src(%dma_wait3A_45 : memref<128xi32, #tpu.memory_space<vmem>>) dst(%dma_wait3A_50 : memref<4097xi32, #tpu.memory_space<vmem_shared>>)
        tpu.yield
      }) : () -> ()
      %run_scoped3A_6 = arith.constant 1 : i32
      %run_scoped3A_7 = arith.constant 1 : i32
      "tpu.region"() ({
        %run_scoped3A_36 = tpu.sem_alloc : memref<!tpu.dma_semaphore, #tpu.memory_space<semaphore_mem>>
        %dma_start3A = arith.constant 0 : i32
        %dma_start3A_37 = tpu.memref_slice %arg9[%run_scoped3A_6, %dma_start3A] : memref<8x128xi32, #tpu.memory_space<vmem>> -> memref<1x128xi32, #tpu.memory_space<vmem>>
        %dma_start3A_38 = tpu.memref_squeeze %dma_start3A_37 : memref<1x128xi32, #tpu.memory_space<vmem>> -> memref<128xi32, #tpu.memory_space<vmem>>
        %dma_start3A_39 = arith.constant 0 : i32
        %dma_start3A_40 = tpu.memref_slice %arg8[%run_scoped3A_7, %dma_start3A_39] : memref<8x128xi32, #tpu.memory_space<vmem>> -> memref<1x128xi32, #tpu.memory_space<vmem>>
        %dma_start3A_41 = tpu.memref_squeeze %dma_start3A_40 : memref<1x128xi32, #tpu.memory_space<vmem>> -> memref<128xi32, #tpu.memory_space<vmem>>
        %dma_start3A_42 = arith.constant 0 : i32
        %dma_start3A_43 = tpu.memref_slice %arg10[%dma_start3A_42] : memref<4097xi32, #tpu.memory_space<vmem_shared>> -> memref<4097xi32, #tpu.memory_space<vmem_shared>>
        tpu.enqueue_indirect_dma source(%dma_start3A_38 : memref<128xi32, #tpu.memory_space<vmem>>) target(%dma_start3A_43 : memref<4097xi32, #tpu.memory_space<vmem_shared>>) offsets(%dma_start3A_41 : memref<128xi32, #tpu.memory_space<vmem>>) semaphore(%run_scoped3A_36 : memref<!tpu.dma_semaphore, #tpu.memory_space<semaphore_mem>>)
        %dma_wait3A = arith.constant 0 : i32
        %dma_wait3A_44 = tpu.memref_slice %arg9[%run_scoped3A_6, %dma_wait3A] : memref<8x128xi32, #tpu.memory_space<vmem>> -> memref<1x128xi32, #tpu.memory_space<vmem>>
        %dma_wait3A_45 = tpu.memref_squeeze %dma_wait3A_44 : memref<1x128xi32, #tpu.memory_space<vmem>> -> memref<128xi32, #tpu.memory_space<vmem>>
        %dma_wait3A_46 = arith.constant 0 : i32
        %dma_wait3A_47 = tpu.memref_slice %arg8[%run_scoped3A_7, %dma_wait3A_46] : memref<8x128xi32, #tpu.memory_space<vmem>> -> memref<1x128xi32, #tpu.memory_space<vmem>>
        %dma_wait3A_48 = tpu.memref_squeeze %dma_wait3A_47 : memref<1x128xi32, #tpu.memory_space<vmem>> -> memref<128xi32, #tpu.memory_space<vmem>>
        %dma_wait3A_49 = arith.constant 0 : i32
        %dma_wait3A_50 = tpu.memref_slice %arg10[%dma_wait3A_49] : memref<4097xi32, #tpu.memory_space<vmem_shared>> -> memref<4097xi32, #tpu.memory_space<vmem_shared>>
        tpu.wait_indirect_dma semaphore(%run_scoped3A_36 : memref<!tpu.dma_semaphore, #tpu.memory_space<semaphore_mem>>) src(%dma_wait3A_45 : memref<128xi32, #tpu.memory_space<vmem>>) dst(%dma_wait3A_50 : memref<4097xi32, #tpu.memory_space<vmem_shared>>)
        tpu.yield
      }) : () -> ()
      %run_scoped3A_8 = arith.constant 1 : i32
      %run_scoped3A_9 = arith.constant 1 : i32
      "tpu.region"() ({
        %run_scoped3A_36 = tpu.sem_alloc : memref<!tpu.dma_semaphore, #tpu.memory_space<semaphore_mem>>
        %dma_start3A = arith.constant 0 : i32
        %dma_start3A_37 = tpu.memref_slice %arg7[%run_scoped3A_8, %dma_start3A] : memref<8x128xi32, #tpu.memory_space<vmem>> -> memref<1x128xi32, #tpu.memory_space<vmem>>
        %dma_start3A_38 = tpu.memref_squeeze %dma_start3A_37 : memref<1x128xi32, #tpu.memory_space<vmem>> -> memref<128xi32, #tpu.memory_space<vmem>>
        %dma_start3A_39 = arith.constant 0 : i32
        %dma_start3A_40 = tpu.memref_slice %arg8[%run_scoped3A_9, %dma_start3A_39] : memref<8x128xi32, #tpu.memory_space<vmem>> -> memref<1x128xi32, #tpu.memory_space<vmem>>
        %dma_start3A_41 = tpu.memref_squeeze %dma_start3A_40 : memref<1x128xi32, #tpu.memory_space<vmem>> -> memref<128xi32, #tpu.memory_space<vmem>>
        %dma_start3A_42 = arith.constant 0 : i32
        %dma_start3A_43 = tpu.memref_slice %arg11[%dma_start3A_42] : memref<4097xi32, #tpu.memory_space<vmem_shared>> -> memref<4097xi32, #tpu.memory_space<vmem_shared>>
        tpu.enqueue_indirect_dma source(%dma_start3A_38 : memref<128xi32, #tpu.memory_space<vmem>>) target(%dma_start3A_43 : memref<4097xi32, #tpu.memory_space<vmem_shared>>) offsets(%dma_start3A_41 : memref<128xi32, #tpu.memory_space<vmem>>) semaphore(%run_scoped3A_36 : memref<!tpu.dma_semaphore, #tpu.memory_space<semaphore_mem>>)
        %dma_wait3A = arith.constant 0 : i32
        %dma_wait3A_44 = tpu.memref_slice %arg7[%run_scoped3A_8, %dma_wait3A] : memref<8x128xi32, #tpu.memory_space<vmem>> -> memref<1x128xi32, #tpu.memory_space<vmem>>
        %dma_wait3A_45 = tpu.memref_squeeze %dma_wait3A_44 : memref<1x128xi32, #tpu.memory_space<vmem>> -> memref<128xi32, #tpu.memory_space<vmem>>
        %dma_wait3A_46 = arith.constant 0 : i32
        %dma_wait3A_47 = tpu.memref_slice %arg8[%run_scoped3A_9, %dma_wait3A_46] : memref<8x128xi32, #tpu.memory_space<vmem>> -> memref<1x128xi32, #tpu.memory_space<vmem>>
        %dma_wait3A_48 = tpu.memref_squeeze %dma_wait3A_47 : memref<1x128xi32, #tpu.memory_space<vmem>> -> memref<128xi32, #tpu.memory_space<vmem>>
        %dma_wait3A_49 = arith.constant 0 : i32
        %dma_wait3A_50 = tpu.memref_slice %arg11[%dma_wait3A_49] : memref<4097xi32, #tpu.memory_space<vmem_shared>> -> memref<4097xi32, #tpu.memory_space<vmem_shared>>
        tpu.wait_indirect_dma semaphore(%run_scoped3A_36 : memref<!tpu.dma_semaphore, #tpu.memory_space<semaphore_mem>>) src(%dma_wait3A_45 : memref<128xi32, #tpu.memory_space<vmem>>) dst(%dma_wait3A_50 : memref<4097xi32, #tpu.memory_space<vmem_shared>>)
        tpu.yield
      }) : () -> ()
      %run_scoped3A_10 = arith.constant 2 : i32
      %run_scoped3A_11 = arith.constant 2 : i32
      "tpu.region"() ({
        %run_scoped3A_36 = tpu.sem_alloc : memref<!tpu.dma_semaphore, #tpu.memory_space<semaphore_mem>>
        %dma_start3A = arith.constant 0 : i32
        %dma_start3A_37 = tpu.memref_slice %arg9[%run_scoped3A_10, %dma_start3A] : memref<8x128xi32, #tpu.memory_space<vmem>> -> memref<1x128xi32, #tpu.memory_space<vmem>>
        %dma_start3A_38 = tpu.memref_squeeze %dma_start3A_37 : memref<1x128xi32, #tpu.memory_space<vmem>> -> memref<128xi32, #tpu.memory_space<vmem>>
        %dma_start3A_39 = arith.constant 0 : i32
        %dma_start3A_40 = tpu.memref_slice %arg8[%run_scoped3A_11, %dma_start3A_39] : memref<8x128xi32, #tpu.memory_space<vmem>> -> memref<1x128xi32, #tpu.memory_space<vmem>>
        %dma_start3A_41 = tpu.memref_squeeze %dma_start3A_40 : memref<1x128xi32, #tpu.memory_space<vmem>> -> memref<128xi32, #tpu.memory_space<vmem>>
        %dma_start3A_42 = arith.constant 0 : i32
        %dma_start3A_43 = tpu.memref_slice %arg10[%dma_start3A_42] : memref<4097xi32, #tpu.memory_space<vmem_shared>> -> memref<4097xi32, #tpu.memory_space<vmem_shared>>
        tpu.enqueue_indirect_dma source(%dma_start3A_38 : memref<128xi32, #tpu.memory_space<vmem>>) target(%dma_start3A_43 : memref<4097xi32, #tpu.memory_space<vmem_shared>>) offsets(%dma_start3A_41 : memref<128xi32, #tpu.memory_space<vmem>>) semaphore(%run_scoped3A_36 : memref<!tpu.dma_semaphore, #tpu.memory_space<semaphore_mem>>)
        %dma_wait3A = arith.constant 0 : i32
        %dma_wait3A_44 = tpu.memref_slice %arg9[%run_scoped3A_10, %dma_wait3A] : memref<8x128xi32, #tpu.memory_space<vmem>> -> memref<1x128xi32, #tpu.memory_space<vmem>>
        %dma_wait3A_45 = tpu.memref_squeeze %dma_wait3A_44 : memref<1x128xi32, #tpu.memory_space<vmem>> -> memref<128xi32, #tpu.memory_space<vmem>>
        %dma_wait3A_46 = arith.constant 0 : i32
        %dma_wait3A_47 = tpu.memref_slice %arg8[%run_scoped3A_11, %dma_wait3A_46] : memref<8x128xi32, #tpu.memory_space<vmem>> -> memref<1x128xi32, #tpu.memory_space<vmem>>
        %dma_wait3A_48 = tpu.memref_squeeze %dma_wait3A_47 : memref<1x128xi32, #tpu.memory_space<vmem>> -> memref<128xi32, #tpu.memory_space<vmem>>
        %dma_wait3A_49 = arith.constant 0 : i32
        %dma_wait3A_50 = tpu.memref_slice %arg10[%dma_wait3A_49] : memref<4097xi32, #tpu.memory_space<vmem_shared>> -> memref<4097xi32, #tpu.memory_space<vmem_shared>>
        tpu.wait_indirect_dma semaphore(%run_scoped3A_36 : memref<!tpu.dma_semaphore, #tpu.memory_space<semaphore_mem>>) src(%dma_wait3A_45 : memref<128xi32, #tpu.memory_space<vmem>>) dst(%dma_wait3A_50 : memref<4097xi32, #tpu.memory_space<vmem_shared>>)
        tpu.yield
      }) : () -> ()
      %run_scoped3A_12 = arith.constant 2 : i32
      %run_scoped3A_13 = arith.constant 2 : i32
      "tpu.region"() ({
        %run_scoped3A_36 = tpu.sem_alloc : memref<!tpu.dma_semaphore, #tpu.memory_space<semaphore_mem>>
        %dma_start3A = arith.constant 0 : i32
        %dma_start3A_37 = tpu.memref_slice %arg7[%run_scoped3A_12, %dma_start3A] : memref<8x128xi32, #tpu.memory_space<vmem>> -> memref<1x128xi32, #tpu.memory_space<vmem>>
        %dma_start3A_38 = tpu.memref_squeeze %dma_start3A_37 : memref<1x128xi32, #tpu.memory_space<vmem>> -> memref<128xi32, #tpu.memory_space<vmem>>
        %dma_start3A_39 = arith.constant 0 : i32
        %dma_start3A_40 = tpu.memref_slice %arg8[%run_scoped3A_13, %dma_start3A_39] : memref<8x128xi32, #tpu.memory_space<vmem>> -> memref<1x128xi32, #tpu.memory_space<vmem>>
        %dma_start3A_41 = tpu.memref_squeeze %dma_start3A_40 : memref<1x128xi32, #tpu.memory_space<vmem>> -> memref<128xi32, #tpu.memory_space<vmem>>
        %dma_start3A_42 = arith.constant 0 : i32
        %dma_start3A_43 = tpu.memref_slice %arg11[%dma_start3A_42] : memref<4097xi32, #tpu.memory_space<vmem_shared>> -> memref<4097xi32, #tpu.memory_space<vmem_shared>>
        tpu.enqueue_indirect_dma source(%dma_start3A_38 : memref<128xi32, #tpu.memory_space<vmem>>) target(%dma_start3A_43 : memref<4097xi32, #tpu.memory_space<vmem_shared>>) offsets(%dma_start3A_41 : memref<128xi32, #tpu.memory_space<vmem>>) semaphore(%run_scoped3A_36 : memref<!tpu.dma_semaphore, #tpu.memory_space<semaphore_mem>>)
        %dma_wait3A = arith.constant 0 : i32
        %dma_wait3A_44 = tpu.memref_slice %arg7[%run_scoped3A_12, %dma_wait3A] : memref<8x128xi32, #tpu.memory_space<vmem>> -> memref<1x128xi32, #tpu.memory_space<vmem>>
        %dma_wait3A_45 = tpu.memref_squeeze %dma_wait3A_44 : memref<1x128xi32, #tpu.memory_space<vmem>> -> memref<128xi32, #tpu.memory_space<vmem>>
        %dma_wait3A_46 = arith.constant 0 : i32
        %dma_wait3A_47 = tpu.memref_slice %arg8[%run_scoped3A_13, %dma_wait3A_46] : memref<8x128xi32, #tpu.memory_space<vmem>> -> memref<1x128xi32, #tpu.memory_space<vmem>>
        %dma_wait3A_48 = tpu.memref_squeeze %dma_wait3A_47 : memref<1x128xi32, #tpu.memory_space<vmem>> -> memref<128xi32, #tpu.memory_space<vmem>>
        %dma_wait3A_49 = arith.constant 0 : i32
        %dma_wait3A_50 = tpu.memref_slice %arg11[%dma_wait3A_49] : memref<4097xi32, #tpu.memory_space<vmem_shared>> -> memref<4097xi32, #tpu.memory_space<vmem_shared>>
        tpu.wait_indirect_dma semaphore(%run_scoped3A_36 : memref<!tpu.dma_semaphore, #tpu.memory_space<semaphore_mem>>) src(%dma_wait3A_45 : memref<128xi32, #tpu.memory_space<vmem>>) dst(%dma_wait3A_50 : memref<4097xi32, #tpu.memory_space<vmem_shared>>)
        tpu.yield
      }) : () -> ()
      %run_scoped3A_14 = arith.constant 3 : i32
      %run_scoped3A_15 = arith.constant 3 : i32
      "tpu.region"() ({
        %run_scoped3A_36 = tpu.sem_alloc : memref<!tpu.dma_semaphore, #tpu.memory_space<semaphore_mem>>
        %dma_start3A = arith.constant 0 : i32
        %dma_start3A_37 = tpu.memref_slice %arg9[%run_scoped3A_14, %dma_start3A] : memref<8x128xi32, #tpu.memory_space<vmem>> -> memref<1x128xi32, #tpu.memory_space<vmem>>
        %dma_start3A_38 = tpu.memref_squeeze %dma_start3A_37 : memref<1x128xi32, #tpu.memory_space<vmem>> -> memref<128xi32, #tpu.memory_space<vmem>>
        %dma_start3A_39 = arith.constant 0 : i32
        %dma_start3A_40 = tpu.memref_slice %arg8[%run_scoped3A_15, %dma_start3A_39] : memref<8x128xi32, #tpu.memory_space<vmem>> -> memref<1x128xi32, #tpu.memory_space<vmem>>
        %dma_start3A_41 = tpu.memref_squeeze %dma_start3A_40 : memref<1x128xi32, #tpu.memory_space<vmem>> -> memref<128xi32, #tpu.memory_space<vmem>>
        %dma_start3A_42 = arith.constant 0 : i32
        %dma_start3A_43 = tpu.memref_slice %arg10[%dma_start3A_42] : memref<4097xi32, #tpu.memory_space<vmem_shared>> -> memref<4097xi32, #tpu.memory_space<vmem_shared>>
        tpu.enqueue_indirect_dma source(%dma_start3A_38 : memref<128xi32, #tpu.memory_space<vmem>>) target(%dma_start3A_43 : memref<4097xi32, #tpu.memory_space<vmem_shared>>) offsets(%dma_start3A_41 : memref<128xi32, #tpu.memory_space<vmem>>) semaphore(%run_scoped3A_36 : memref<!tpu.dma_semaphore, #tpu.memory_space<semaphore_mem>>)
        %dma_wait3A = arith.constant 0 : i32
        %dma_wait3A_44 = tpu.memref_slice %arg9[%run_scoped3A_14, %dma_wait3A] : memref<8x128xi32, #tpu.memory_space<vmem>> -> memref<1x128xi32, #tpu.memory_space<vmem>>
        %dma_wait3A_45 = tpu.memref_squeeze %dma_wait3A_44 : memref<1x128xi32, #tpu.memory_space<vmem>> -> memref<128xi32, #tpu.memory_space<vmem>>
        %dma_wait3A_46 = arith.constant 0 : i32
        %dma_wait3A_47 = tpu.memref_slice %arg8[%run_scoped3A_15, %dma_wait3A_46] : memref<8x128xi32, #tpu.memory_space<vmem>> -> memref<1x128xi32, #tpu.memory_space<vmem>>
        %dma_wait3A_48 = tpu.memref_squeeze %dma_wait3A_47 : memref<1x128xi32, #tpu.memory_space<vmem>> -> memref<128xi32, #tpu.memory_space<vmem>>
        %dma_wait3A_49 = arith.constant 0 : i32
        %dma_wait3A_50 = tpu.memref_slice %arg10[%dma_wait3A_49] : memref<4097xi32, #tpu.memory_space<vmem_shared>> -> memref<4097xi32, #tpu.memory_space<vmem_shared>>
        tpu.wait_indirect_dma semaphore(%run_scoped3A_36 : memref<!tpu.dma_semaphore, #tpu.memory_space<semaphore_mem>>) src(%dma_wait3A_45 : memref<128xi32, #tpu.memory_space<vmem>>) dst(%dma_wait3A_50 : memref<4097xi32, #tpu.memory_space<vmem_shared>>)
        tpu.yield
      }) : () -> ()
      %run_scoped3A_16 = arith.constant 3 : i32
      %run_scoped3A_17 = arith.constant 3 : i32
      "tpu.region"() ({
        %run_scoped3A_36 = tpu.sem_alloc : memref<!tpu.dma_semaphore, #tpu.memory_space<semaphore_mem>>
        %dma_start3A = arith.constant 0 : i32
        %dma_start3A_37 = tpu.memref_slice %arg7[%run_scoped3A_16, %dma_start3A] : memref<8x128xi32, #tpu.memory_space<vmem>> -> memref<1x128xi32, #tpu.memory_space<vmem>>
        %dma_start3A_38 = tpu.memref_squeeze %dma_start3A_37 : memref<1x128xi32, #tpu.memory_space<vmem>> -> memref<128xi32, #tpu.memory_space<vmem>>
        %dma_start3A_39 = arith.constant 0 : i32
        %dma_start3A_40 = tpu.memref_slice %arg8[%run_scoped3A_17, %dma_start3A_39] : memref<8x128xi32, #tpu.memory_space<vmem>> -> memref<1x128xi32, #tpu.memory_space<vmem>>
        %dma_start3A_41 = tpu.memref_squeeze %dma_start3A_40 : memref<1x128xi32, #tpu.memory_space<vmem>> -> memref<128xi32, #tpu.memory_space<vmem>>
        %dma_start3A_42 = arith.constant 0 : i32
        %dma_start3A_43 = tpu.memref_slice %arg11[%dma_start3A_42] : memref<4097xi32, #tpu.memory_space<vmem_shared>> -> memref<4097xi32, #tpu.memory_space<vmem_shared>>
        tpu.enqueue_indirect_dma source(%dma_start3A_38 : memref<128xi32, #tpu.memory_space<vmem>>) target(%dma_start3A_43 : memref<4097xi32, #tpu.memory_space<vmem_shared>>) offsets(%dma_start3A_41 : memref<128xi32, #tpu.memory_space<vmem>>) semaphore(%run_scoped3A_36 : memref<!tpu.dma_semaphore, #tpu.memory_space<semaphore_mem>>)
        %dma_wait3A = arith.constant 0 : i32
        %dma_wait3A_44 = tpu.memref_slice %arg7[%run_scoped3A_16, %dma_wait3A] : memref<8x128xi32, #tpu.memory_space<vmem>> -> memref<1x128xi32, #tpu.memory_space<vmem>>
        %dma_wait3A_45 = tpu.memref_squeeze %dma_wait3A_44 : memref<1x128xi32, #tpu.memory_space<vmem>> -> memref<128xi32, #tpu.memory_space<vmem>>
        %dma_wait3A_46 = arith.constant 0 : i32
        %dma_wait3A_47 = tpu.memref_slice %arg8[%run_scoped3A_17, %dma_wait3A_46] : memref<8x128xi32, #tpu.memory_space<vmem>> -> memref<1x128xi32, #tpu.memory_space<vmem>>
        %dma_wait3A_48 = tpu.memref_squeeze %dma_wait3A_47 : memref<1x128xi32, #tpu.memory_space<vmem>> -> memref<128xi32, #tpu.memory_space<vmem>>
        %dma_wait3A_49 = arith.constant 0 : i32
        %dma_wait3A_50 = tpu.memref_slice %arg11[%dma_wait3A_49] : memref<4097xi32, #tpu.memory_space<vmem_shared>> -> memref<4097xi32, #tpu.memory_space<vmem_shared>>
        tpu.wait_indirect_dma semaphore(%run_scoped3A_36 : memref<!tpu.dma_semaphore, #tpu.memory_space<semaphore_mem>>) src(%dma_wait3A_45 : memref<128xi32, #tpu.memory_space<vmem>>) dst(%dma_wait3A_50 : memref<4097xi32, #tpu.memory_space<vmem_shared>>)
        tpu.yield
      }) : () -> ()
      %run_scoped3A_18 = arith.constant 4 : i32
      %run_scoped3A_19 = arith.constant 4 : i32
      "tpu.region"() ({
        %run_scoped3A_36 = tpu.sem_alloc : memref<!tpu.dma_semaphore, #tpu.memory_space<semaphore_mem>>
        %dma_start3A = arith.constant 0 : i32
        %dma_start3A_37 = tpu.memref_slice %arg9[%run_scoped3A_18, %dma_start3A] : memref<8x128xi32, #tpu.memory_space<vmem>> -> memref<1x128xi32, #tpu.memory_space<vmem>>
        %dma_start3A_38 = tpu.memref_squeeze %dma_start3A_37 : memref<1x128xi32, #tpu.memory_space<vmem>> -> memref<128xi32, #tpu.memory_space<vmem>>
        %dma_start3A_39 = arith.constant 0 : i32
        %dma_start3A_40 = tpu.memref_slice %arg8[%run_scoped3A_19, %dma_start3A_39] : memref<8x128xi32, #tpu.memory_space<vmem>> -> memref<1x128xi32, #tpu.memory_space<vmem>>
        %dma_start3A_41 = tpu.memref_squeeze %dma_start3A_40 : memref<1x128xi32, #tpu.memory_space<vmem>> -> memref<128xi32, #tpu.memory_space<vmem>>
        %dma_start3A_42 = arith.constant 0 : i32
        %dma_start3A_43 = tpu.memref_slice %arg10[%dma_start3A_42] : memref<4097xi32, #tpu.memory_space<vmem_shared>> -> memref<4097xi32, #tpu.memory_space<vmem_shared>>
        tpu.enqueue_indirect_dma source(%dma_start3A_38 : memref<128xi32, #tpu.memory_space<vmem>>) target(%dma_start3A_43 : memref<4097xi32, #tpu.memory_space<vmem_shared>>) offsets(%dma_start3A_41 : memref<128xi32, #tpu.memory_space<vmem>>) semaphore(%run_scoped3A_36 : memref<!tpu.dma_semaphore, #tpu.memory_space<semaphore_mem>>)
        %dma_wait3A = arith.constant 0 : i32
        %dma_wait3A_44 = tpu.memref_slice %arg9[%run_scoped3A_18, %dma_wait3A] : memref<8x128xi32, #tpu.memory_space<vmem>> -> memref<1x128xi32, #tpu.memory_space<vmem>>
        %dma_wait3A_45 = tpu.memref_squeeze %dma_wait3A_44 : memref<1x128xi32, #tpu.memory_space<vmem>> -> memref<128xi32, #tpu.memory_space<vmem>>
        %dma_wait3A_46 = arith.constant 0 : i32
        %dma_wait3A_47 = tpu.memref_slice %arg8[%run_scoped3A_19, %dma_wait3A_46] : memref<8x128xi32, #tpu.memory_space<vmem>> -> memref<1x128xi32, #tpu.memory_space<vmem>>
        %dma_wait3A_48 = tpu.memref_squeeze %dma_wait3A_47 : memref<1x128xi32, #tpu.memory_space<vmem>> -> memref<128xi32, #tpu.memory_space<vmem>>
        %dma_wait3A_49 = arith.constant 0 : i32
        %dma_wait3A_50 = tpu.memref_slice %arg10[%dma_wait3A_49] : memref<4097xi32, #tpu.memory_space<vmem_shared>> -> memref<4097xi32, #tpu.memory_space<vmem_shared>>
        tpu.wait_indirect_dma semaphore(%run_scoped3A_36 : memref<!tpu.dma_semaphore, #tpu.memory_space<semaphore_mem>>) src(%dma_wait3A_45 : memref<128xi32, #tpu.memory_space<vmem>>) dst(%dma_wait3A_50 : memref<4097xi32, #tpu.memory_space<vmem_shared>>)
        tpu.yield
      }) : () -> ()
      %run_scoped3A_20 = arith.constant 4 : i32
      %run_scoped3A_21 = arith.constant 4 : i32
      "tpu.region"() ({
        %run_scoped3A_36 = tpu.sem_alloc : memref<!tpu.dma_semaphore, #tpu.memory_space<semaphore_mem>>
        %dma_start3A = arith.constant 0 : i32
        %dma_start3A_37 = tpu.memref_slice %arg7[%run_scoped3A_20, %dma_start3A] : memref<8x128xi32, #tpu.memory_space<vmem>> -> memref<1x128xi32, #tpu.memory_space<vmem>>
        %dma_start3A_38 = tpu.memref_squeeze %dma_start3A_37 : memref<1x128xi32, #tpu.memory_space<vmem>> -> memref<128xi32, #tpu.memory_space<vmem>>
        %dma_start3A_39 = arith.constant 0 : i32
        %dma_start3A_40 = tpu.memref_slice %arg8[%run_scoped3A_21, %dma_start3A_39] : memref<8x128xi32, #tpu.memory_space<vmem>> -> memref<1x128xi32, #tpu.memory_space<vmem>>
        %dma_start3A_41 = tpu.memref_squeeze %dma_start3A_40 : memref<1x128xi32, #tpu.memory_space<vmem>> -> memref<128xi32, #tpu.memory_space<vmem>>
        %dma_start3A_42 = arith.constant 0 : i32
        %dma_start3A_43 = tpu.memref_slice %arg11[%dma_start3A_42] : memref<4097xi32, #tpu.memory_space<vmem_shared>> -> memref<4097xi32, #tpu.memory_space<vmem_shared>>
        tpu.enqueue_indirect_dma source(%dma_start3A_38 : memref<128xi32, #tpu.memory_space<vmem>>) target(%dma_start3A_43 : memref<4097xi32, #tpu.memory_space<vmem_shared>>) offsets(%dma_start3A_41 : memref<128xi32, #tpu.memory_space<vmem>>) semaphore(%run_scoped3A_36 : memref<!tpu.dma_semaphore, #tpu.memory_space<semaphore_mem>>)
        %dma_wait3A = arith.constant 0 : i32
        %dma_wait3A_44 = tpu.memref_slice %arg7[%run_scoped3A_20, %dma_wait3A] : memref<8x128xi32, #tpu.memory_space<vmem>> -> memref<1x128xi32, #tpu.memory_space<vmem>>
        %dma_wait3A_45 = tpu.memref_squeeze %dma_wait3A_44 : memref<1x128xi32, #tpu.memory_space<vmem>> -> memref<128xi32, #tpu.memory_space<vmem>>
        %dma_wait3A_46 = arith.constant 0 : i32
        %dma_wait3A_47 = tpu.memref_slice %arg8[%run_scoped3A_21, %dma_wait3A_46] : memref<8x128xi32, #tpu.memory_space<vmem>> -> memref<1x128xi32, #tpu.memory_space<vmem>>
        %dma_wait3A_48 = tpu.memref_squeeze %dma_wait3A_47 : memref<1x128xi32, #tpu.memory_space<vmem>> -> memref<128xi32, #tpu.memory_space<vmem>>
        %dma_wait3A_49 = arith.constant 0 : i32
        %dma_wait3A_50 = tpu.memref_slice %arg11[%dma_wait3A_49] : memref<4097xi32, #tpu.memory_space<vmem_shared>> -> memref<4097xi32, #tpu.memory_space<vmem_shared>>
        tpu.wait_indirect_dma semaphore(%run_scoped3A_36 : memref<!tpu.dma_semaphore, #tpu.memory_space<semaphore_mem>>) src(%dma_wait3A_45 : memref<128xi32, #tpu.memory_space<vmem>>) dst(%dma_wait3A_50 : memref<4097xi32, #tpu.memory_space<vmem_shared>>)
        tpu.yield
      }) : () -> ()
      %run_scoped3A_22 = arith.constant 5 : i32
      %run_scoped3A_23 = arith.constant 5 : i32
      "tpu.region"() ({
        %run_scoped3A_36 = tpu.sem_alloc : memref<!tpu.dma_semaphore, #tpu.memory_space<semaphore_mem>>
        %dma_start3A = arith.constant 0 : i32
        %dma_start3A_37 = tpu.memref_slice %arg9[%run_scoped3A_22, %dma_start3A] : memref<8x128xi32, #tpu.memory_space<vmem>> -> memref<1x128xi32, #tpu.memory_space<vmem>>
        %dma_start3A_38 = tpu.memref_squeeze %dma_start3A_37 : memref<1x128xi32, #tpu.memory_space<vmem>> -> memref<128xi32, #tpu.memory_space<vmem>>
        %dma_start3A_39 = arith.constant 0 : i32
        %dma_start3A_40 = tpu.memref_slice %arg8[%run_scoped3A_23, %dma_start3A_39] : memref<8x128xi32, #tpu.memory_space<vmem>> -> memref<1x128xi32, #tpu.memory_space<vmem>>
        %dma_start3A_41 = tpu.memref_squeeze %dma_start3A_40 : memref<1x128xi32, #tpu.memory_space<vmem>> -> memref<128xi32, #tpu.memory_space<vmem>>
        %dma_start3A_42 = arith.constant 0 : i32
        %dma_start3A_43 = tpu.memref_slice %arg10[%dma_start3A_42] : memref<4097xi32, #tpu.memory_space<vmem_shared>> -> memref<4097xi32, #tpu.memory_space<vmem_shared>>
        tpu.enqueue_indirect_dma source(%dma_start3A_38 : memref<128xi32, #tpu.memory_space<vmem>>) target(%dma_start3A_43 : memref<4097xi32, #tpu.memory_space<vmem_shared>>) offsets(%dma_start3A_41 : memref<128xi32, #tpu.memory_space<vmem>>) semaphore(%run_scoped3A_36 : memref<!tpu.dma_semaphore, #tpu.memory_space<semaphore_mem>>)
        %dma_wait3A = arith.constant 0 : i32
        %dma_wait3A_44 = tpu.memref_slice %arg9[%run_scoped3A_22, %dma_wait3A] : memref<8x128xi32, #tpu.memory_space<vmem>> -> memref<1x128xi32, #tpu.memory_space<vmem>>
        %dma_wait3A_45 = tpu.memref_squeeze %dma_wait3A_44 : memref<1x128xi32, #tpu.memory_space<vmem>> -> memref<128xi32, #tpu.memory_space<vmem>>
        %dma_wait3A_46 = arith.constant 0 : i32
        %dma_wait3A_47 = tpu.memref_slice %arg8[%run_scoped3A_23, %dma_wait3A_46] : memref<8x128xi32, #tpu.memory_space<vmem>> -> memref<1x128xi32, #tpu.memory_space<vmem>>
        %dma_wait3A_48 = tpu.memref_squeeze %dma_wait3A_47 : memref<1x128xi32, #tpu.memory_space<vmem>> -> memref<128xi32, #tpu.memory_space<vmem>>
        %dma_wait3A_49 = arith.constant 0 : i32
        %dma_wait3A_50 = tpu.memref_slice %arg10[%dma_wait3A_49] : memref<4097xi32, #tpu.memory_space<vmem_shared>> -> memref<4097xi32, #tpu.memory_space<vmem_shared>>
        tpu.wait_indirect_dma semaphore(%run_scoped3A_36 : memref<!tpu.dma_semaphore, #tpu.memory_space<semaphore_mem>>) src(%dma_wait3A_45 : memref<128xi32, #tpu.memory_space<vmem>>) dst(%dma_wait3A_50 : memref<4097xi32, #tpu.memory_space<vmem_shared>>)
        tpu.yield
      }) : () -> ()
      %run_scoped3A_24 = arith.constant 5 : i32
      %run_scoped3A_25 = arith.constant 5 : i32
      "tpu.region"() ({
        %run_scoped3A_36 = tpu.sem_alloc : memref<!tpu.dma_semaphore, #tpu.memory_space<semaphore_mem>>
        %dma_start3A = arith.constant 0 : i32
        %dma_start3A_37 = tpu.memref_slice %arg7[%run_scoped3A_24, %dma_start3A] : memref<8x128xi32, #tpu.memory_space<vmem>> -> memref<1x128xi32, #tpu.memory_space<vmem>>
        %dma_start3A_38 = tpu.memref_squeeze %dma_start3A_37 : memref<1x128xi32, #tpu.memory_space<vmem>> -> memref<128xi32, #tpu.memory_space<vmem>>
        %dma_start3A_39 = arith.constant 0 : i32
        %dma_start3A_40 = tpu.memref_slice %arg8[%run_scoped3A_25, %dma_start3A_39] : memref<8x128xi32, #tpu.memory_space<vmem>> -> memref<1x128xi32, #tpu.memory_space<vmem>>
        %dma_start3A_41 = tpu.memref_squeeze %dma_start3A_40 : memref<1x128xi32, #tpu.memory_space<vmem>> -> memref<128xi32, #tpu.memory_space<vmem>>
        %dma_start3A_42 = arith.constant 0 : i32
        %dma_start3A_43 = tpu.memref_slice %arg11[%dma_start3A_42] : memref<4097xi32, #tpu.memory_space<vmem_shared>> -> memref<4097xi32, #tpu.memory_space<vmem_shared>>
        tpu.enqueue_indirect_dma source(%dma_start3A_38 : memref<128xi32, #tpu.memory_space<vmem>>) target(%dma_start3A_43 : memref<4097xi32, #tpu.memory_space<vmem_shared>>) offsets(%dma_start3A_41 : memref<128xi32, #tpu.memory_space<vmem>>) semaphore(%run_scoped3A_36 : memref<!tpu.dma_semaphore, #tpu.memory_space<semaphore_mem>>)
        %dma_wait3A = arith.constant 0 : i32
        %dma_wait3A_44 = tpu.memref_slice %arg7[%run_scoped3A_24, %dma_wait3A] : memref<8x128xi32, #tpu.memory_space<vmem>> -> memref<1x128xi32, #tpu.memory_space<vmem>>
        %dma_wait3A_45 = tpu.memref_squeeze %dma_wait3A_44 : memref<1x128xi32, #tpu.memory_space<vmem>> -> memref<128xi32, #tpu.memory_space<vmem>>
        %dma_wait3A_46 = arith.constant 0 : i32
        %dma_wait3A_47 = tpu.memref_slice %arg8[%run_scoped3A_25, %dma_wait3A_46] : memref<8x128xi32, #tpu.memory_space<vmem>> -> memref<1x128xi32, #tpu.memory_space<vmem>>
        %dma_wait3A_48 = tpu.memref_squeeze %dma_wait3A_47 : memref<1x128xi32, #tpu.memory_space<vmem>> -> memref<128xi32, #tpu.memory_space<vmem>>
        %dma_wait3A_49 = arith.constant 0 : i32
        %dma_wait3A_50 = tpu.memref_slice %arg11[%dma_wait3A_49] : memref<4097xi32, #tpu.memory_space<vmem_shared>> -> memref<4097xi32, #tpu.memory_space<vmem_shared>>
        tpu.wait_indirect_dma semaphore(%run_scoped3A_36 : memref<!tpu.dma_semaphore, #tpu.memory_space<semaphore_mem>>) src(%dma_wait3A_45 : memref<128xi32, #tpu.memory_space<vmem>>) dst(%dma_wait3A_50 : memref<4097xi32, #tpu.memory_space<vmem_shared>>)
        tpu.yield
      }) : () -> ()
      %run_scoped3A_26 = arith.constant 6 : i32
      %run_scoped3A_27 = arith.constant 6 : i32
      "tpu.region"() ({
        %run_scoped3A_36 = tpu.sem_alloc : memref<!tpu.dma_semaphore, #tpu.memory_space<semaphore_mem>>
        %dma_start3A = arith.constant 0 : i32
        %dma_start3A_37 = tpu.memref_slice %arg9[%run_scoped3A_26, %dma_start3A] : memref<8x128xi32, #tpu.memory_space<vmem>> -> memref<1x128xi32, #tpu.memory_space<vmem>>
        %dma_start3A_38 = tpu.memref_squeeze %dma_start3A_37 : memref<1x128xi32, #tpu.memory_space<vmem>> -> memref<128xi32, #tpu.memory_space<vmem>>
        %dma_start3A_39 = arith.constant 0 : i32
        %dma_start3A_40 = tpu.memref_slice %arg8[%run_scoped3A_27, %dma_start3A_39] : memref<8x128xi32, #tpu.memory_space<vmem>> -> memref<1x128xi32, #tpu.memory_space<vmem>>
        %dma_start3A_41 = tpu.memref_squeeze %dma_start3A_40 : memref<1x128xi32, #tpu.memory_space<vmem>> -> memref<128xi32, #tpu.memory_space<vmem>>
        %dma_start3A_42 = arith.constant 0 : i32
        %dma_start3A_43 = tpu.memref_slice %arg10[%dma_start3A_42] : memref<4097xi32, #tpu.memory_space<vmem_shared>> -> memref<4097xi32, #tpu.memory_space<vmem_shared>>
        tpu.enqueue_indirect_dma source(%dma_start3A_38 : memref<128xi32, #tpu.memory_space<vmem>>) target(%dma_start3A_43 : memref<4097xi32, #tpu.memory_space<vmem_shared>>) offsets(%dma_start3A_41 : memref<128xi32, #tpu.memory_space<vmem>>) semaphore(%run_scoped3A_36 : memref<!tpu.dma_semaphore, #tpu.memory_space<semaphore_mem>>)
        %dma_wait3A = arith.constant 0 : i32
        %dma_wait3A_44 = tpu.memref_slice %arg9[%run_scoped3A_26, %dma_wait3A] : memref<8x128xi32, #tpu.memory_space<vmem>> -> memref<1x128xi32, #tpu.memory_space<vmem>>
        %dma_wait3A_45 = tpu.memref_squeeze %dma_wait3A_44 : memref<1x128xi32, #tpu.memory_space<vmem>> -> memref<128xi32, #tpu.memory_space<vmem>>
        %dma_wait3A_46 = arith.constant 0 : i32
        %dma_wait3A_47 = tpu.memref_slice %arg8[%run_scoped3A_27, %dma_wait3A_46] : memref<8x128xi32, #tpu.memory_space<vmem>> -> memref<1x128xi32, #tpu.memory_space<vmem>>
        %dma_wait3A_48 = tpu.memref_squeeze %dma_wait3A_47 : memref<1x128xi32, #tpu.memory_space<vmem>> -> memref<128xi32, #tpu.memory_space<vmem>>
        %dma_wait3A_49 = arith.constant 0 : i32
        %dma_wait3A_50 = tpu.memref_slice %arg10[%dma_wait3A_49] : memref<4097xi32, #tpu.memory_space<vmem_shared>> -> memref<4097xi32, #tpu.memory_space<vmem_shared>>
        tpu.wait_indirect_dma semaphore(%run_scoped3A_36 : memref<!tpu.dma_semaphore, #tpu.memory_space<semaphore_mem>>) src(%dma_wait3A_45 : memref<128xi32, #tpu.memory_space<vmem>>) dst(%dma_wait3A_50 : memref<4097xi32, #tpu.memory_space<vmem_shared>>)
        tpu.yield
      }) : () -> ()
      %run_scoped3A_28 = arith.constant 6 : i32
      %run_scoped3A_29 = arith.constant 6 : i32
      "tpu.region"() ({
        %run_scoped3A_36 = tpu.sem_alloc : memref<!tpu.dma_semaphore, #tpu.memory_space<semaphore_mem>>
        %dma_start3A = arith.constant 0 : i32
        %dma_start3A_37 = tpu.memref_slice %arg7[%run_scoped3A_28, %dma_start3A] : memref<8x128xi32, #tpu.memory_space<vmem>> -> memref<1x128xi32, #tpu.memory_space<vmem>>
        %dma_start3A_38 = tpu.memref_squeeze %dma_start3A_37 : memref<1x128xi32, #tpu.memory_space<vmem>> -> memref<128xi32, #tpu.memory_space<vmem>>
        %dma_start3A_39 = arith.constant 0 : i32
        %dma_start3A_40 = tpu.memref_slice %arg8[%run_scoped3A_29, %dma_start3A_39] : memref<8x128xi32, #tpu.memory_space<vmem>> -> memref<1x128xi32, #tpu.memory_space<vmem>>
        %dma_start3A_41 = tpu.memref_squeeze %dma_start3A_40 : memref<1x128xi32, #tpu.memory_space<vmem>> -> memref<128xi32, #tpu.memory_space<vmem>>
        %dma_start3A_42 = arith.constant 0 : i32
        %dma_start3A_43 = tpu.memref_slice %arg11[%dma_start3A_42] : memref<4097xi32, #tpu.memory_space<vmem_shared>> -> memref<4097xi32, #tpu.memory_space<vmem_shared>>
        tpu.enqueue_indirect_dma source(%dma_start3A_38 : memref<128xi32, #tpu.memory_space<vmem>>) target(%dma_start3A_43 : memref<4097xi32, #tpu.memory_space<vmem_shared>>) offsets(%dma_start3A_41 : memref<128xi32, #tpu.memory_space<vmem>>) semaphore(%run_scoped3A_36 : memref<!tpu.dma_semaphore, #tpu.memory_space<semaphore_mem>>)
        %dma_wait3A = arith.constant 0 : i32
        %dma_wait3A_44 = tpu.memref_slice %arg7[%run_scoped3A_28, %dma_wait3A] : memref<8x128xi32, #tpu.memory_space<vmem>> -> memref<1x128xi32, #tpu.memory_space<vmem>>
        %dma_wait3A_45 = tpu.memref_squeeze %dma_wait3A_44 : memref<1x128xi32, #tpu.memory_space<vmem>> -> memref<128xi32, #tpu.memory_space<vmem>>
        %dma_wait3A_46 = arith.constant 0 : i32
        %dma_wait3A_47 = tpu.memref_slice %arg8[%run_scoped3A_29, %dma_wait3A_46] : memref<8x128xi32, #tpu.memory_space<vmem>> -> memref<1x128xi32, #tpu.memory_space<vmem>>
        %dma_wait3A_48 = tpu.memref_squeeze %dma_wait3A_47 : memref<1x128xi32, #tpu.memory_space<vmem>> -> memref<128xi32, #tpu.memory_space<vmem>>
        %dma_wait3A_49 = arith.constant 0 : i32
        %dma_wait3A_50 = tpu.memref_slice %arg11[%dma_wait3A_49] : memref<4097xi32, #tpu.memory_space<vmem_shared>> -> memref<4097xi32, #tpu.memory_space<vmem_shared>>
        tpu.wait_indirect_dma semaphore(%run_scoped3A_36 : memref<!tpu.dma_semaphore, #tpu.memory_space<semaphore_mem>>) src(%dma_wait3A_45 : memref<128xi32, #tpu.memory_space<vmem>>) dst(%dma_wait3A_50 : memref<4097xi32, #tpu.memory_space<vmem_shared>>)
        tpu.yield
      }) : () -> ()
      %run_scoped3A_30 = arith.constant 7 : i32
      %run_scoped3A_31 = arith.constant 7 : i32
      "tpu.region"() ({
        %run_scoped3A_36 = tpu.sem_alloc : memref<!tpu.dma_semaphore, #tpu.memory_space<semaphore_mem>>
        %dma_start3A = arith.constant 0 : i32
        %dma_start3A_37 = tpu.memref_slice %arg9[%run_scoped3A_30, %dma_start3A] : memref<8x128xi32, #tpu.memory_space<vmem>> -> memref<1x128xi32, #tpu.memory_space<vmem>>
        %dma_start3A_38 = tpu.memref_squeeze %dma_start3A_37 : memref<1x128xi32, #tpu.memory_space<vmem>> -> memref<128xi32, #tpu.memory_space<vmem>>
        %dma_start3A_39 = arith.constant 0 : i32
        %dma_start3A_40 = tpu.memref_slice %arg8[%run_scoped3A_31, %dma_start3A_39] : memref<8x128xi32, #tpu.memory_space<vmem>> -> memref<1x128xi32, #tpu.memory_space<vmem>>
        %dma_start3A_41 = tpu.memref_squeeze %dma_start3A_40 : memref<1x128xi32, #tpu.memory_space<vmem>> -> memref<128xi32, #tpu.memory_space<vmem>>
        %dma_start3A_42 = arith.constant 0 : i32
        %dma_start3A_43 = tpu.memref_slice %arg10[%dma_start3A_42] : memref<4097xi32, #tpu.memory_space<vmem_shared>> -> memref<4097xi32, #tpu.memory_space<vmem_shared>>
        tpu.enqueue_indirect_dma source(%dma_start3A_38 : memref<128xi32, #tpu.memory_space<vmem>>) target(%dma_start3A_43 : memref<4097xi32, #tpu.memory_space<vmem_shared>>) offsets(%dma_start3A_41 : memref<128xi32, #tpu.memory_space<vmem>>) semaphore(%run_scoped3A_36 : memref<!tpu.dma_semaphore, #tpu.memory_space<semaphore_mem>>)
        %dma_wait3A = arith.constant 0 : i32
        %dma_wait3A_44 = tpu.memref_slice %arg9[%run_scoped3A_30, %dma_wait3A] : memref<8x128xi32, #tpu.memory_space<vmem>> -> memref<1x128xi32, #tpu.memory_space<vmem>>
        %dma_wait3A_45 = tpu.memref_squeeze %dma_wait3A_44 : memref<1x128xi32, #tpu.memory_space<vmem>> -> memref<128xi32, #tpu.memory_space<vmem>>
        %dma_wait3A_46 = arith.constant 0 : i32
        %dma_wait3A_47 = tpu.memref_slice %arg8[%run_scoped3A_31, %dma_wait3A_46] : memref<8x128xi32, #tpu.memory_space<vmem>> -> memref<1x128xi32, #tpu.memory_space<vmem>>
        %dma_wait3A_48 = tpu.memref_squeeze %dma_wait3A_47 : memref<1x128xi32, #tpu.memory_space<vmem>> -> memref<128xi32, #tpu.memory_space<vmem>>
        %dma_wait3A_49 = arith.constant 0 : i32
        %dma_wait3A_50 = tpu.memref_slice %arg10[%dma_wait3A_49] : memref<4097xi32, #tpu.memory_space<vmem_shared>> -> memref<4097xi32, #tpu.memory_space<vmem_shared>>
        tpu.wait_indirect_dma semaphore(%run_scoped3A_36 : memref<!tpu.dma_semaphore, #tpu.memory_space<semaphore_mem>>) src(%dma_wait3A_45 : memref<128xi32, #tpu.memory_space<vmem>>) dst(%dma_wait3A_50 : memref<4097xi32, #tpu.memory_space<vmem_shared>>)
        tpu.yield
      }) : () -> ()
      %run_scoped3A_32 = arith.constant 7 : i32
      %run_scoped3A_33 = arith.constant 7 : i32
      "tpu.region"() ({
        %run_scoped3A_36 = tpu.sem_alloc : memref<!tpu.dma_semaphore, #tpu.memory_space<semaphore_mem>>
        %dma_start3A = arith.constant 0 : i32
        %dma_start3A_37 = tpu.memref_slice %arg7[%run_scoped3A_32, %dma_start3A] : memref<8x128xi32, #tpu.memory_space<vmem>> -> memref<1x128xi32, #tpu.memory_space<vmem>>
        %dma_start3A_38 = tpu.memref_squeeze %dma_start3A_37 : memref<1x128xi32, #tpu.memory_space<vmem>> -> memref<128xi32, #tpu.memory_space<vmem>>
        %dma_start3A_39 = arith.constant 0 : i32
        %dma_start3A_40 = tpu.memref_slice %arg8[%run_scoped3A_33, %dma_start3A_39] : memref<8x128xi32, #tpu.memory_space<vmem>> -> memref<1x128xi32, #tpu.memory_space<vmem>>
        %dma_start3A_41 = tpu.memref_squeeze %dma_start3A_40 : memref<1x128xi32, #tpu.memory_space<vmem>> -> memref<128xi32, #tpu.memory_space<vmem>>
        %dma_start3A_42 = arith.constant 0 : i32
        %dma_start3A_43 = tpu.memref_slice %arg11[%dma_start3A_42] : memref<4097xi32, #tpu.memory_space<vmem_shared>> -> memref<4097xi32, #tpu.memory_space<vmem_shared>>
        tpu.enqueue_indirect_dma source(%dma_start3A_38 : memref<128xi32, #tpu.memory_space<vmem>>) target(%dma_start3A_43 : memref<4097xi32, #tpu.memory_space<vmem_shared>>) offsets(%dma_start3A_41 : memref<128xi32, #tpu.memory_space<vmem>>) semaphore(%run_scoped3A_36 : memref<!tpu.dma_semaphore, #tpu.memory_space<semaphore_mem>>)
        %dma_wait3A = arith.constant 0 : i32
        %dma_wait3A_44 = tpu.memref_slice %arg7[%run_scoped3A_32, %dma_wait3A] : memref<8x128xi32, #tpu.memory_space<vmem>> -> memref<1x128xi32, #tpu.memory_space<vmem>>
        %dma_wait3A_45 = tpu.memref_squeeze %dma_wait3A_44 : memref<1x128xi32, #tpu.memory_space<vmem>> -> memref<128xi32, #tpu.memory_space<vmem>>
        %dma_wait3A_46 = arith.constant 0 : i32
        %dma_wait3A_47 = tpu.memref_slice %arg8[%run_scoped3A_33, %dma_wait3A_46] : memref<8x128xi32, #tpu.memory_space<vmem>> -> memref<1x128xi32, #tpu.memory_space<vmem>>
        %dma_wait3A_48 = tpu.memref_squeeze %dma_wait3A_47 : memref<1x128xi32, #tpu.memory_space<vmem>> -> memref<128xi32, #tpu.memory_space<vmem>>
        %dma_wait3A_49 = arith.constant 0 : i32
        %dma_wait3A_50 = tpu.memref_slice %arg11[%dma_wait3A_49] : memref<4097xi32, #tpu.memory_space<vmem_shared>> -> memref<4097xi32, #tpu.memory_space<vmem_shared>>
        tpu.wait_indirect_dma semaphore(%run_scoped3A_36 : memref<!tpu.dma_semaphore, #tpu.memory_space<semaphore_mem>>) src(%dma_wait3A_45 : memref<128xi32, #tpu.memory_space<vmem>>) dst(%dma_wait3A_50 : memref<4097xi32, #tpu.memory_space<vmem_shared>>)
        tpu.yield
      }) : () -> ()
      %barrier3A = arith.constant 0 : index
      tpu.barrier barrier_id(%barrier3A)
      %mul3A_34 = arith.constant 256 : i32
      %mul3A_35 = arith.muli %arg1, %mul3A_34 : i32
      "tpu.region"() ({
        %run_scoped3A_36 = tpu.sem_alloc : memref<!tpu.dma_semaphore, #tpu.memory_space<semaphore_mem>>
        %dma_start3A = tpu.memref_slice %arg5[%mul3A_35] : memref<4097xi32, #tpu.memory_space<hbm>> -> memref<256xi32, #tpu.memory_space<hbm>>
        %dma_start3A_37 = tpu.memref_slice %arg10[%mul3A_35] : memref<4097xi32, #tpu.memory_space<vmem_shared>> -> memref<256xi32, #tpu.memory_space<vmem_shared>>
        tpu.enqueue_dma source(%dma_start3A_37 : memref<256xi32, #tpu.memory_space<vmem_shared>>) target(%dma_start3A : memref<256xi32, #tpu.memory_space<hbm>>) target_semaphore(%run_scoped3A_36 : memref<!tpu.dma_semaphore, #tpu.memory_space<semaphore_mem>>)
        %dma_wait3A = tpu.memref_slice %arg5[%mul3A_35] : memref<4097xi32, #tpu.memory_space<hbm>> -> memref<256xi32, #tpu.memory_space<hbm>>
        %dma_wait3A_38 = tpu.memref_slice %arg10[%mul3A_35] : memref<4097xi32, #tpu.memory_space<vmem_shared>> -> memref<256xi32, #tpu.memory_space<vmem_shared>>
        tpu.wait_dma2 semaphore(%run_scoped3A_36 : memref<!tpu.dma_semaphore, #tpu.memory_space<semaphore_mem>>) src(%dma_wait3A_38 : memref<256xi32, #tpu.memory_space<vmem_shared>>) dst(%dma_wait3A : memref<256xi32, #tpu.memory_space<hbm>>)
        tpu.yield
      }) : () -> ()
      "tpu.region"() ({
        %run_scoped3A_36 = tpu.sem_alloc : memref<!tpu.dma_semaphore, #tpu.memory_space<semaphore_mem>>
        %dma_start3A = tpu.memref_slice %arg6[%mul3A_35] : memref<4097xi32, #tpu.memory_space<hbm>> -> memref<256xi32, #tpu.memory_space<hbm>>
        %dma_start3A_37 = tpu.memref_slice %arg11[%mul3A_35] : memref<4097xi32, #tpu.memory_space<vmem_shared>> -> memref<256xi32, #tpu.memory_space<vmem_shared>>
        tpu.enqueue_dma source(%dma_start3A_37 : memref<256xi32, #tpu.memory_space<vmem_shared>>) target(%dma_start3A : memref<256xi32, #tpu.memory_space<hbm>>) target_semaphore(%run_scoped3A_36 : memref<!tpu.dma_semaphore, #tpu.memory_space<semaphore_mem>>)
        %dma_wait3A = tpu.memref_slice %arg6[%mul3A_35] : memref<4097xi32, #tpu.memory_space<hbm>> -> memref<256xi32, #tpu.memory_space<hbm>>
        %dma_wait3A_38 = tpu.memref_slice %arg11[%mul3A_35] : memref<4097xi32, #tpu.memory_space<vmem_shared>> -> memref<256xi32, #tpu.memory_space<vmem_shared>>
        tpu.wait_dma2 semaphore(%run_scoped3A_36 : memref<!tpu.dma_semaphore, #tpu.memory_space<semaphore_mem>>) src(%dma_wait3A_38 : memref<256xi32, #tpu.memory_space<vmem_shared>>) dst(%dma_wait3A : memref<256xi32, #tpu.memory_space<hbm>>)
        tpu.yield
      }) : () -> ()
    } else {
    }
    return
  }
}

#map = affine_map<(d0, d1) -> (0, 0)>
#map1 = affine_map<(d0, d1) -> (0)>
module attributes {stable_mosaic.version = 14 : i64} {
  func.func @_sc_scatter(%arg0: i32, %arg1: i32, %arg2: memref<4096x128xf32, #tpu.memory_space<hbm>>, %arg3: memref<32x128xi32, #tpu.memory_space<hbm>>, %arg4: memref<32x128xi32, #tpu.memory_space<hbm>>, %arg5: memref<4096xi32, #tpu.memory_space<hbm>>, %arg6: memref<4096x128xf32, #tpu.memory_space<hbm>>, %arg7: memref<128xi32, #tpu.memory_space<vmem>>, %arg8: memref<128x128xf32, #tpu.memory_space<vmem>>, %arg9: memref<2x128xi32, #tpu.memory_space<vmem>>, %arg10: memref<2x128xi32, #tpu.memory_space<vmem>>, %arg11: memref<4096xi32, #tpu.memory_space<vmem_shared>>, %arg12: memref<!tpu.dma_semaphore, #tpu.memory_space<semaphore_mem>>) attributes {dimension_semantics = [#tpu.dimension_semantics<core_parallel>, #tpu.dimension_semantics<subcore_parallel>], iteration_bounds = array<i64: 2, 16>, scalar_prefetch = 0 : i64, scratch_operands = 6 : i64, tpu.core_type = #tpu.core_type<sc_vector_subcore>, window_params = [{transform_indices = #map}, {transform_indices = #map}, {transform_indices = #map}, {transform_indices = #map1}, {transform_indices = #map}]} {
    %mul3A = arith.constant 2 : i32
    %mul3A_0 = arith.muli %arg1, %mul3A : i32
    %add3A = arith.addi %mul3A_0, %arg0 : i32
    "tpu.region"() ({
      %run_scoped3A = tpu.sem_alloc : memref<!tpu.dma_semaphore, #tpu.memory_space<semaphore_mem>>
      %dma_start3A_9 = arith.constant 0 : i32
      %dma_start3A_10 = tpu.memref_slice %arg4[%add3A, %dma_start3A_9] : memref<32x128xi32, #tpu.memory_space<hbm>> -> memref<1x128xi32, #tpu.memory_space<hbm>>
      %dma_start3A_11 = tpu.memref_squeeze %dma_start3A_10 : memref<1x128xi32, #tpu.memory_space<hbm>> -> memref<128xi32, #tpu.memory_space<hbm>>
      %dma_start3A_12 = arith.constant 0 : i32
      %dma_start3A_13 = tpu.memref_slice %arg4[%add3A, %dma_start3A_12] : memref<32x128xi32, #tpu.memory_space<hbm>> -> memref<1x128xi32, #tpu.memory_space<hbm>>
      %dma_start3A_14 = tpu.memref_squeeze %dma_start3A_13 : memref<1x128xi32, #tpu.memory_space<hbm>> -> memref<128xi32, #tpu.memory_space<hbm>>
      tpu.enqueue_dma source(%dma_start3A_14 : memref<128xi32, #tpu.memory_space<hbm>>) target(%arg7 : memref<128xi32, #tpu.memory_space<vmem>>) target_semaphore(%run_scoped3A : memref<!tpu.dma_semaphore, #tpu.memory_space<semaphore_mem>>)
      %dma_wait3A_15 = arith.constant 0 : i32
      %dma_wait3A_16 = tpu.memref_slice %arg4[%add3A, %dma_wait3A_15] : memref<32x128xi32, #tpu.memory_space<hbm>> -> memref<1x128xi32, #tpu.memory_space<hbm>>
      %dma_wait3A_17 = tpu.memref_squeeze %dma_wait3A_16 : memref<1x128xi32, #tpu.memory_space<hbm>> -> memref<128xi32, #tpu.memory_space<hbm>>
      %dma_wait3A_18 = arith.constant 0 : i32
      %dma_wait3A_19 = tpu.memref_slice %arg4[%add3A, %dma_wait3A_18] : memref<32x128xi32, #tpu.memory_space<hbm>> -> memref<1x128xi32, #tpu.memory_space<hbm>>
      %dma_wait3A_20 = tpu.memref_squeeze %dma_wait3A_19 : memref<1x128xi32, #tpu.memory_space<hbm>> -> memref<128xi32, #tpu.memory_space<hbm>>
      tpu.wait_dma2 semaphore(%run_scoped3A : memref<!tpu.dma_semaphore, #tpu.memory_space<semaphore_mem>>) src(%dma_wait3A_20 : memref<128xi32, #tpu.memory_space<hbm>>) dst(%arg7 : memref<128xi32, #tpu.memory_space<vmem>>)
      tpu.yield
    }) : () -> ()
    %mul3A_1 = arith.constant 128 : i32
    %mul3A_2 = arith.muli %add3A, %mul3A_1 : i32
    "tpu.region"() ({
      %run_scoped3A = tpu.sem_alloc : memref<!tpu.dma_semaphore, #tpu.memory_space<semaphore_mem>>
      %dma_start3A_9 = arith.constant 0 : i32
      %dma_start3A_10 = tpu.memref_slice %arg2[%mul3A_2, %dma_start3A_9] : memref<4096x128xf32, #tpu.memory_space<hbm>> -> memref<128x128xf32, #tpu.memory_space<hbm>>
      %dma_start3A_11 = arith.constant 0 : i32
      %dma_start3A_12 = tpu.memref_slice %arg2[%mul3A_2, %dma_start3A_11] : memref<4096x128xf32, #tpu.memory_space<hbm>> -> memref<128x128xf32, #tpu.memory_space<hbm>>
      tpu.enqueue_dma source(%dma_start3A_12 : memref<128x128xf32, #tpu.memory_space<hbm>>) target(%arg8 : memref<128x128xf32, #tpu.memory_space<vmem>>) target_semaphore(%run_scoped3A : memref<!tpu.dma_semaphore, #tpu.memory_space<semaphore_mem>>)
      %dma_wait3A_13 = arith.constant 0 : i32
      %dma_wait3A_14 = tpu.memref_slice %arg2[%mul3A_2, %dma_wait3A_13] : memref<4096x128xf32, #tpu.memory_space<hbm>> -> memref<128x128xf32, #tpu.memory_space<hbm>>
      %dma_wait3A_15 = arith.constant 0 : i32
      %dma_wait3A_16 = tpu.memref_slice %arg2[%mul3A_2, %dma_wait3A_15] : memref<4096x128xf32, #tpu.memory_space<hbm>> -> memref<128x128xf32, #tpu.memory_space<hbm>>
      tpu.wait_dma2 semaphore(%run_scoped3A : memref<!tpu.dma_semaphore, #tpu.memory_space<semaphore_mem>>) src(%dma_wait3A_16 : memref<128x128xf32, #tpu.memory_space<hbm>>) dst(%arg8 : memref<128x128xf32, #tpu.memory_space<vmem>>)
      tpu.yield
    }) : () -> ()
    %dma_start3A = arith.constant 0 : i32
    %dma_start3A_3 = arith.constant 0 : i32
    %dma_start3A_4 = tpu.memref_slice %arg6[%dma_start3A, %dma_start3A_3] : memref<4096x128xf32, #tpu.memory_space<hbm>> -> memref<4096x128xf32, #tpu.memory_space<hbm>>
    tpu.enqueue_indirect_dma source(%arg8 : memref<128x128xf32, #tpu.memory_space<vmem>>) target(%dma_start3A_4 : memref<4096x128xf32, #tpu.memory_space<hbm>>) offsets(%arg7 : memref<128xi32, #tpu.memory_space<vmem>>) semaphore(%arg12 : memref<!tpu.dma_semaphore, #tpu.memory_space<semaphore_mem>>)
    %dma_wait3A = arith.constant 0 : i32
    %dma_wait3A_5 = arith.constant 0 : i32
    %dma_wait3A_6 = tpu.memref_slice %arg6[%dma_wait3A, %dma_wait3A_5] : memref<4096x128xf32, #tpu.memory_space<hbm>> -> memref<4096x128xf32, #tpu.memory_space<hbm>>
    tpu.wait_indirect_dma semaphore(%arg12 : memref<!tpu.dma_semaphore, #tpu.memory_space<semaphore_mem>>) src(%arg8 : memref<128x128xf32, #tpu.memory_space<vmem>>) dst(%dma_wait3A_6 : memref<4096x128xf32, #tpu.memory_space<hbm>>)
    %eq3A = arith.constant 0 : i32
    %eq3A_7 = arith.cmpi eq, %arg0, %eq3A : i32
    %convert_element_type3A = arith.extui %eq3A_7 : i1 to i32
    %cond3A = arith.constant 0 : i32
    %cond3A_8 = arith.cmpi ne, %convert_element_type3A, %cond3A : i32
    scf.if %cond3A_8 {
      %mul3A_9 = arith.constant 2 : i32
      %mul3A_10 = arith.muli %arg1, %mul3A_9 : i32
      "tpu.region"() ({
        %run_scoped3A_16 = tpu.sem_alloc : memref<!tpu.dma_semaphore, #tpu.memory_space<semaphore_mem>>
        %dma_start3A_17 = arith.constant 0 : i32
        %dma_start3A_18 = tpu.memref_slice %arg3[%mul3A_10, %dma_start3A_17] : memref<32x128xi32, #tpu.memory_space<hbm>> -> memref<2x128xi32, #tpu.memory_space<hbm>>
        %dma_start3A_19 = arith.constant 0 : i32
        %dma_start3A_20 = tpu.memref_slice %arg3[%mul3A_10, %dma_start3A_19] : memref<32x128xi32, #tpu.memory_space<hbm>> -> memref<2x128xi32, #tpu.memory_space<hbm>>
        tpu.enqueue_dma source(%dma_start3A_20 : memref<2x128xi32, #tpu.memory_space<hbm>>) target(%arg9 : memref<2x128xi32, #tpu.memory_space<vmem>>) target_semaphore(%run_scoped3A_16 : memref<!tpu.dma_semaphore, #tpu.memory_space<semaphore_mem>>)
        %dma_wait3A_21 = arith.constant 0 : i32
        %dma_wait3A_22 = tpu.memref_slice %arg3[%mul3A_10, %dma_wait3A_21] : memref<32x128xi32, #tpu.memory_space<hbm>> -> memref<2x128xi32, #tpu.memory_space<hbm>>
        %dma_wait3A_23 = arith.constant 0 : i32
        %dma_wait3A_24 = tpu.memref_slice %arg3[%mul3A_10, %dma_wait3A_23] : memref<32x128xi32, #tpu.memory_space<hbm>> -> memref<2x128xi32, #tpu.memory_space<hbm>>
        tpu.wait_dma2 semaphore(%run_scoped3A_16 : memref<!tpu.dma_semaphore, #tpu.memory_space<semaphore_mem>>) src(%dma_wait3A_24 : memref<2x128xi32, #tpu.memory_space<hbm>>) dst(%arg9 : memref<2x128xi32, #tpu.memory_space<vmem>>)
        tpu.yield
      }) : () -> ()
      "tpu.region"() ({
        %run_scoped3A_16 = tpu.sem_alloc : memref<!tpu.dma_semaphore, #tpu.memory_space<semaphore_mem>>
        %dma_start3A_17 = arith.constant 0 : i32
        %dma_start3A_18 = tpu.memref_slice %arg4[%mul3A_10, %dma_start3A_17] : memref<32x128xi32, #tpu.memory_space<hbm>> -> memref<2x128xi32, #tpu.memory_space<hbm>>
        %dma_start3A_19 = arith.constant 0 : i32
        %dma_start3A_20 = tpu.memref_slice %arg4[%mul3A_10, %dma_start3A_19] : memref<32x128xi32, #tpu.memory_space<hbm>> -> memref<2x128xi32, #tpu.memory_space<hbm>>
        tpu.enqueue_dma source(%dma_start3A_20 : memref<2x128xi32, #tpu.memory_space<hbm>>) target(%arg10 : memref<2x128xi32, #tpu.memory_space<vmem>>) target_semaphore(%run_scoped3A_16 : memref<!tpu.dma_semaphore, #tpu.memory_space<semaphore_mem>>)
        %dma_wait3A_21 = arith.constant 0 : i32
        %dma_wait3A_22 = tpu.memref_slice %arg4[%mul3A_10, %dma_wait3A_21] : memref<32x128xi32, #tpu.memory_space<hbm>> -> memref<2x128xi32, #tpu.memory_space<hbm>>
        %dma_wait3A_23 = arith.constant 0 : i32
        %dma_wait3A_24 = tpu.memref_slice %arg4[%mul3A_10, %dma_wait3A_23] : memref<32x128xi32, #tpu.memory_space<hbm>> -> memref<2x128xi32, #tpu.memory_space<hbm>>
        tpu.wait_dma2 semaphore(%run_scoped3A_16 : memref<!tpu.dma_semaphore, #tpu.memory_space<semaphore_mem>>) src(%dma_wait3A_24 : memref<2x128xi32, #tpu.memory_space<hbm>>) dst(%arg10 : memref<2x128xi32, #tpu.memory_space<vmem>>)
        tpu.yield
      }) : () -> ()
      %run_scoped3A = arith.constant 0 : i32
      %run_scoped3A_11 = arith.constant 0 : i32
      "tpu.region"() ({
        %run_scoped3A_16 = tpu.sem_alloc : memref<!tpu.dma_semaphore, #tpu.memory_space<semaphore_mem>>
        %dma_start3A_17 = arith.constant 0 : i32
        %dma_start3A_18 = tpu.memref_slice %arg9[%run_scoped3A, %dma_start3A_17] : memref<2x128xi32, #tpu.memory_space<vmem>> -> memref<1x128xi32, #tpu.memory_space<vmem>>
        %dma_start3A_19 = tpu.memref_squeeze %dma_start3A_18 : memref<1x128xi32, #tpu.memory_space<vmem>> -> memref<128xi32, #tpu.memory_space<vmem>>
        %dma_start3A_20 = arith.constant 0 : i32
        %dma_start3A_21 = tpu.memref_slice %arg10[%run_scoped3A_11, %dma_start3A_20] : memref<2x128xi32, #tpu.memory_space<vmem>> -> memref<1x128xi32, #tpu.memory_space<vmem>>
        %dma_start3A_22 = tpu.memref_squeeze %dma_start3A_21 : memref<1x128xi32, #tpu.memory_space<vmem>> -> memref<128xi32, #tpu.memory_space<vmem>>
        %dma_start3A_23 = arith.constant 0 : i32
        %dma_start3A_24 = tpu.memref_slice %arg11[%dma_start3A_23] : memref<4096xi32, #tpu.memory_space<vmem_shared>> -> memref<4096xi32, #tpu.memory_space<vmem_shared>>
        tpu.enqueue_indirect_dma source(%dma_start3A_19 : memref<128xi32, #tpu.memory_space<vmem>>) target(%dma_start3A_24 : memref<4096xi32, #tpu.memory_space<vmem_shared>>) offsets(%dma_start3A_22 : memref<128xi32, #tpu.memory_space<vmem>>) semaphore(%run_scoped3A_16 : memref<!tpu.dma_semaphore, #tpu.memory_space<semaphore_mem>>)
        %dma_wait3A_25 = arith.constant 0 : i32
        %dma_wait3A_26 = tpu.memref_slice %arg9[%run_scoped3A, %dma_wait3A_25] : memref<2x128xi32, #tpu.memory_space<vmem>> -> memref<1x128xi32, #tpu.memory_space<vmem>>
        %dma_wait3A_27 = tpu.memref_squeeze %dma_wait3A_26 : memref<1x128xi32, #tpu.memory_space<vmem>> -> memref<128xi32, #tpu.memory_space<vmem>>
        %dma_wait3A_28 = arith.constant 0 : i32
        %dma_wait3A_29 = tpu.memref_slice %arg10[%run_scoped3A_11, %dma_wait3A_28] : memref<2x128xi32, #tpu.memory_space<vmem>> -> memref<1x128xi32, #tpu.memory_space<vmem>>
        %dma_wait3A_30 = tpu.memref_squeeze %dma_wait3A_29 : memref<1x128xi32, #tpu.memory_space<vmem>> -> memref<128xi32, #tpu.memory_space<vmem>>
        %dma_wait3A_31 = arith.constant 0 : i32
        %dma_wait3A_32 = tpu.memref_slice %arg11[%dma_wait3A_31] : memref<4096xi32, #tpu.memory_space<vmem_shared>> -> memref<4096xi32, #tpu.memory_space<vmem_shared>>
        tpu.wait_indirect_dma semaphore(%run_scoped3A_16 : memref<!tpu.dma_semaphore, #tpu.memory_space<semaphore_mem>>) src(%dma_wait3A_27 : memref<128xi32, #tpu.memory_space<vmem>>) dst(%dma_wait3A_32 : memref<4096xi32, #tpu.memory_space<vmem_shared>>)
        tpu.yield
      }) : () -> ()
      %run_scoped3A_12 = arith.constant 1 : i32
      %run_scoped3A_13 = arith.constant 1 : i32
      "tpu.region"() ({
        %run_scoped3A_16 = tpu.sem_alloc : memref<!tpu.dma_semaphore, #tpu.memory_space<semaphore_mem>>
        %dma_start3A_17 = arith.constant 0 : i32
        %dma_start3A_18 = tpu.memref_slice %arg9[%run_scoped3A_12, %dma_start3A_17] : memref<2x128xi32, #tpu.memory_space<vmem>> -> memref<1x128xi32, #tpu.memory_space<vmem>>
        %dma_start3A_19 = tpu.memref_squeeze %dma_start3A_18 : memref<1x128xi32, #tpu.memory_space<vmem>> -> memref<128xi32, #tpu.memory_space<vmem>>
        %dma_start3A_20 = arith.constant 0 : i32
        %dma_start3A_21 = tpu.memref_slice %arg10[%run_scoped3A_13, %dma_start3A_20] : memref<2x128xi32, #tpu.memory_space<vmem>> -> memref<1x128xi32, #tpu.memory_space<vmem>>
        %dma_start3A_22 = tpu.memref_squeeze %dma_start3A_21 : memref<1x128xi32, #tpu.memory_space<vmem>> -> memref<128xi32, #tpu.memory_space<vmem>>
        %dma_start3A_23 = arith.constant 0 : i32
        %dma_start3A_24 = tpu.memref_slice %arg11[%dma_start3A_23] : memref<4096xi32, #tpu.memory_space<vmem_shared>> -> memref<4096xi32, #tpu.memory_space<vmem_shared>>
        tpu.enqueue_indirect_dma source(%dma_start3A_19 : memref<128xi32, #tpu.memory_space<vmem>>) target(%dma_start3A_24 : memref<4096xi32, #tpu.memory_space<vmem_shared>>) offsets(%dma_start3A_22 : memref<128xi32, #tpu.memory_space<vmem>>) semaphore(%run_scoped3A_16 : memref<!tpu.dma_semaphore, #tpu.memory_space<semaphore_mem>>)
        %dma_wait3A_25 = arith.constant 0 : i32
        %dma_wait3A_26 = tpu.memref_slice %arg9[%run_scoped3A_12, %dma_wait3A_25] : memref<2x128xi32, #tpu.memory_space<vmem>> -> memref<1x128xi32, #tpu.memory_space<vmem>>
        %dma_wait3A_27 = tpu.memref_squeeze %dma_wait3A_26 : memref<1x128xi32, #tpu.memory_space<vmem>> -> memref<128xi32, #tpu.memory_space<vmem>>
        %dma_wait3A_28 = arith.constant 0 : i32
        %dma_wait3A_29 = tpu.memref_slice %arg10[%run_scoped3A_13, %dma_wait3A_28] : memref<2x128xi32, #tpu.memory_space<vmem>> -> memref<1x128xi32, #tpu.memory_space<vmem>>
        %dma_wait3A_30 = tpu.memref_squeeze %dma_wait3A_29 : memref<1x128xi32, #tpu.memory_space<vmem>> -> memref<128xi32, #tpu.memory_space<vmem>>
        %dma_wait3A_31 = arith.constant 0 : i32
        %dma_wait3A_32 = tpu.memref_slice %arg11[%dma_wait3A_31] : memref<4096xi32, #tpu.memory_space<vmem_shared>> -> memref<4096xi32, #tpu.memory_space<vmem_shared>>
        tpu.wait_indirect_dma semaphore(%run_scoped3A_16 : memref<!tpu.dma_semaphore, #tpu.memory_space<semaphore_mem>>) src(%dma_wait3A_27 : memref<128xi32, #tpu.memory_space<vmem>>) dst(%dma_wait3A_32 : memref<4096xi32, #tpu.memory_space<vmem_shared>>)
        tpu.yield
      }) : () -> ()
      %barrier3A = arith.constant 0 : index
      tpu.barrier barrier_id(%barrier3A)
      %mul3A_14 = arith.constant 256 : i32
      %mul3A_15 = arith.muli %arg1, %mul3A_14 : i32
      "tpu.region"() ({
        %run_scoped3A_16 = tpu.sem_alloc : memref<!tpu.dma_semaphore, #tpu.memory_space<semaphore_mem>>
        %dma_start3A_17 = tpu.memref_slice %arg5[%mul3A_15] : memref<4096xi32, #tpu.memory_space<hbm>> -> memref<256xi32, #tpu.memory_space<hbm>>
        %dma_start3A_18 = tpu.memref_slice %arg11[%mul3A_15] : memref<4096xi32, #tpu.memory_space<vmem_shared>> -> memref<256xi32, #tpu.memory_space<vmem_shared>>
        tpu.enqueue_dma source(%dma_start3A_18 : memref<256xi32, #tpu.memory_space<vmem_shared>>) target(%dma_start3A_17 : memref<256xi32, #tpu.memory_space<hbm>>) target_semaphore(%run_scoped3A_16 : memref<!tpu.dma_semaphore, #tpu.memory_space<semaphore_mem>>)
        %dma_wait3A_19 = tpu.memref_slice %arg5[%mul3A_15] : memref<4096xi32, #tpu.memory_space<hbm>> -> memref<256xi32, #tpu.memory_space<hbm>>
        %dma_wait3A_20 = tpu.memref_slice %arg11[%mul3A_15] : memref<4096xi32, #tpu.memory_space<vmem_shared>> -> memref<256xi32, #tpu.memory_space<vmem_shared>>
        tpu.wait_dma2 semaphore(%run_scoped3A_16 : memref<!tpu.dma_semaphore, #tpu.memory_space<semaphore_mem>>) src(%dma_wait3A_20 : memref<256xi32, #tpu.memory_space<vmem_shared>>) dst(%dma_wait3A_19 : memref<256xi32, #tpu.memory_space<hbm>>)
        tpu.yield
      }) : () -> ()
    } else {
    }
    return
  }
}

module attributes {stable_mosaic.version = 14 : i64} {
  func.func @_norms_body(%arg0: i32, %arg1: memref<1024x64xf32, #tpu.memory_space<vmem>>, %arg2: memref<1024x64xf32, #tpu.memory_space<vmem>>, %arg3: memref<1024xf32, #tpu.memory_space<vmem>>, %arg4: memref<1024xf32, #tpu.memory_space<vmem>>) attributes {dimension_semantics = [#tpu.dimension_semantics<arbitrary>], iteration_bounds = array<i64: 16>, scalar_prefetch = 0 : i64, scratch_operands = 0 : i64, tpu.core_type = #tpu.core_type<tc>, window_params = [{transform_indices = @transform_0, window_bounds = array<i64: 1024, 64>}, {transform_indices = @transform_1, window_bounds = array<i64: 1024, 64>}, {transform_indices = @transform_2, window_bounds = array<i64: 1024>}, {transform_indices = @transform_3, window_bounds = array<i64: 1024>}]} {
    %get3A = arith.constant 0 : index
    %get3A_0 = arith.constant 0 : index
    %get3A_1 = vector.load %arg1[%get3A, %get3A_0] : memref<1024x64xf32, #tpu.memory_space<vmem>>, vector<1024x64xf32>
    %transpose3A = tpu.transpose %get3A_1, [1, 0] : vector<1024x64xf32> -> vector<64x1024xf32>
    %mul3A = arith.mulf %transpose3A, %transpose3A : vector<64x1024xf32>
    %slice3A = vector.extract_strided_slice %mul3A {offsets = [0, 0], sizes = [8, 1024], strides = [1, 1]} : vector<64x1024xf32> to vector<8x1024xf32>
    %slice3A_2 = vector.extract_strided_slice %mul3A {offsets = [8, 0], sizes = [8, 1024], strides = [1, 1]} : vector<64x1024xf32> to vector<8x1024xf32>
    %add3A = arith.addf %slice3A, %slice3A_2 : vector<8x1024xf32>
    %slice3A_3 = vector.extract_strided_slice %mul3A {offsets = [16, 0], sizes = [8, 1024], strides = [1, 1]} : vector<64x1024xf32> to vector<8x1024xf32>
    %add3A_4 = arith.addf %add3A, %slice3A_3 : vector<8x1024xf32>
    %slice3A_5 = vector.extract_strided_slice %mul3A {offsets = [24, 0], sizes = [8, 1024], strides = [1, 1]} : vector<64x1024xf32> to vector<8x1024xf32>
    %add3A_6 = arith.addf %add3A_4, %slice3A_5 : vector<8x1024xf32>
    %slice3A_7 = vector.extract_strided_slice %mul3A {offsets = [32, 0], sizes = [8, 1024], strides = [1, 1]} : vector<64x1024xf32> to vector<8x1024xf32>
    %add3A_8 = arith.addf %add3A_6, %slice3A_7 : vector<8x1024xf32>
    %slice3A_9 = vector.extract_strided_slice %mul3A {offsets = [40, 0], sizes = [8, 1024], strides = [1, 1]} : vector<64x1024xf32> to vector<8x1024xf32>
    %add3A_10 = arith.addf %add3A_8, %slice3A_9 : vector<8x1024xf32>
    %slice3A_11 = vector.extract_strided_slice %mul3A {offsets = [48, 0], sizes = [8, 1024], strides = [1, 1]} : vector<64x1024xf32> to vector<8x1024xf32>
    %add3A_12 = arith.addf %add3A_10, %slice3A_11 : vector<8x1024xf32>
    %slice3A_13 = vector.extract_strided_slice %mul3A {offsets = [56, 0], sizes = [8, 1024], strides = [1, 1]} : vector<64x1024xf32> to vector<8x1024xf32>
    %add3A_14 = arith.addf %add3A_12, %slice3A_13 : vector<8x1024xf32>
    %slice3A_15 = vector.extract_strided_slice %add3A_14 {offsets = [0, 0], sizes = [4, 1024], strides = [1, 1]} : vector<8x1024xf32> to vector<4x1024xf32>
    %slice3A_16 = vector.extract_strided_slice %add3A_14 {offsets = [4, 0], sizes = [4, 1024], strides = [1, 1]} : vector<8x1024xf32> to vector<4x1024xf32>
    %add3A_17 = arith.addf %slice3A_15, %slice3A_16 : vector<4x1024xf32>
    %slice3A_18 = vector.extract_strided_slice %add3A_17 {offsets = [0, 0], sizes = [2, 1024], strides = [1, 1]} : vector<4x1024xf32> to vector<2x1024xf32>
    %slice3A_19 = vector.extract_strided_slice %add3A_17 {offsets = [2, 0], sizes = [2, 1024], strides = [1, 1]} : vector<4x1024xf32> to vector<2x1024xf32>
    %add3A_20 = arith.addf %slice3A_18, %slice3A_19 : vector<2x1024xf32>
    %slice3A_21 = vector.extract_strided_slice %add3A_20 {offsets = [0, 0], sizes = [1, 1024], strides = [1, 1]} : vector<2x1024xf32> to vector<1x1024xf32>
    %squeeze3A = vector.shape_cast %slice3A_21 : vector<1x1024xf32> to vector<1024xf32>
    %slice3A_22 = vector.extract_strided_slice %add3A_20 {offsets = [1, 0], sizes = [1, 1024], strides = [1, 1]} : vector<2x1024xf32> to vector<1x1024xf32>
    %squeeze3A_23 = vector.shape_cast %slice3A_22 : vector<1x1024xf32> to vector<1024xf32>
    %add3A_24 = arith.addf %squeeze3A, %squeeze3A_23 : vector<1024xf32>
    %swap3A = arith.constant 0 : index
    %swap3A_25 = vector.load %arg3[%swap3A] : memref<1024xf32, #tpu.memory_space<vmem>>, vector<1024xf32>
    tpu.vector_store %arg3[%swap3A], %add3A_24 {strides = array<i32>} : memref<1024xf32, #tpu.memory_space<vmem>>, vector<1024xf32>,
    %get3A_26 = arith.constant 0 : index
    %get3A_27 = arith.constant 0 : index
    %get3A_28 = vector.load %arg2[%get3A_26, %get3A_27] : memref<1024x64xf32, #tpu.memory_space<vmem>>, vector<1024x64xf32>
    %transpose3A_29 = tpu.transpose %get3A_28, [1, 0] : vector<1024x64xf32> -> vector<64x1024xf32>
    %mul3A_30 = arith.mulf %transpose3A_29, %transpose3A_29 : vector<64x1024xf32>
    %slice3A_31 = vector.extract_strided_slice %mul3A_30 {offsets = [0, 0], sizes = [8, 1024], strides = [1, 1]} : vector<64x1024xf32> to vector<8x1024xf32>
    %slice3A_32 = vector.extract_strided_slice %mul3A_30 {offsets = [8, 0], sizes = [8, 1024], strides = [1, 1]} : vector<64x1024xf32> to vector<8x1024xf32>
    %add3A_33 = arith.addf %slice3A_31, %slice3A_32 : vector<8x1024xf32>
    %slice3A_34 = vector.extract_strided_slice %mul3A_30 {offsets = [16, 0], sizes = [8, 1024], strides = [1, 1]} : vector<64x1024xf32> to vector<8x1024xf32>
    %add3A_35 = arith.addf %add3A_33, %slice3A_34 : vector<8x1024xf32>
    %slice3A_36 = vector.extract_strided_slice %mul3A_30 {offsets = [24, 0], sizes = [8, 1024], strides = [1, 1]} : vector<64x1024xf32> to vector<8x1024xf32>
    %add3A_37 = arith.addf %add3A_35, %slice3A_36 : vector<8x1024xf32>
    %slice3A_38 = vector.extract_strided_slice %mul3A_30 {offsets = [32, 0], sizes = [8, 1024], strides = [1, 1]} : vector<64x1024xf32> to vector<8x1024xf32>
    %add3A_39 = arith.addf %add3A_37, %slice3A_38 : vector<8x1024xf32>
    %slice3A_40 = vector.extract_strided_slice %mul3A_30 {offsets = [40, 0], sizes = [8, 1024], strides = [1, 1]} : vector<64x1024xf32> to vector<8x1024xf32>
    %add3A_41 = arith.addf %add3A_39, %slice3A_40 : vector<8x1024xf32>
    %slice3A_42 = vector.extract_strided_slice %mul3A_30 {offsets = [48, 0], sizes = [8, 1024], strides = [1, 1]} : vector<64x1024xf32> to vector<8x1024xf32>
    %add3A_43 = arith.addf %add3A_41, %slice3A_42 : vector<8x1024xf32>
    %slice3A_44 = vector.extract_strided_slice %mul3A_30 {offsets = [56, 0], sizes = [8, 1024], strides = [1, 1]} : vector<64x1024xf32> to vector<8x1024xf32>
    %add3A_45 = arith.addf %add3A_43, %slice3A_44 : vector<8x1024xf32>
    %slice3A_46 = vector.extract_strided_slice %add3A_45 {offsets = [0, 0], sizes = [4, 1024], strides = [1, 1]} : vector<8x1024xf32> to vector<4x1024xf32>
    %slice3A_47 = vector.extract_strided_slice %add3A_45 {offsets = [4, 0], sizes = [4, 1024], strides = [1, 1]} : vector<8x1024xf32> to vector<4x1024xf32>
    %add3A_48 = arith.addf %slice3A_46, %slice3A_47 : vector<4x1024xf32>
    %slice3A_49 = vector.extract_strided_slice %add3A_48 {offsets = [0, 0], sizes = [2, 1024], strides = [1, 1]} : vector<4x1024xf32> to vector<2x1024xf32>
    %slice3A_50 = vector.extract_strided_slice %add3A_48 {offsets = [2, 0], sizes = [2, 1024], strides = [1, 1]} : vector<4x1024xf32> to vector<2x1024xf32>
    %add3A_51 = arith.addf %slice3A_49, %slice3A_50 : vector<2x1024xf32>
    %slice3A_52 = vector.extract_strided_slice %add3A_51 {offsets = [0, 0], sizes = [1, 1024], strides = [1, 1]} : vector<2x1024xf32> to vector<1x1024xf32>
    %squeeze3A_53 = vector.shape_cast %slice3A_52 : vector<1x1024xf32> to vector<1024xf32>
    %slice3A_54 = vector.extract_strided_slice %add3A_51 {offsets = [1, 0], sizes = [1, 1024], strides = [1, 1]} : vector<2x1024xf32> to vector<1x1024xf32>
    %squeeze3A_55 = vector.shape_cast %slice3A_54 : vector<1x1024xf32> to vector<1024xf32>
    %add3A_56 = arith.addf %squeeze3A_53, %squeeze3A_55 : vector<1024xf32>
    %swap3A_57 = arith.constant 0 : index
    %swap3A_58 = vector.load %arg4[%swap3A_57] : memref<1024xf32, #tpu.memory_space<vmem>>, vector<1024xf32>
    tpu.vector_store %arg4[%swap3A_57], %add3A_56 {strides = array<i32>} : memref<1024xf32, #tpu.memory_space<vmem>>, vector<1024xf32>,
    return
  }
  func.func @transform_0(%arg0: i32) -> (i32, i32) {
    %c0_i32 = arith.constant 0 : i32
    %c0_i32_0 = arith.constant 0 : i32
    return %arg0, %c0_i32 : i32, i32
  }
  func.func @transform_1(%arg0: i32) -> (i32, i32) {
    %c0_i32 = arith.constant 0 : i32
    %c0_i32_0 = arith.constant 0 : i32
    return %arg0, %c0_i32 : i32, i32
  }
  func.func @transform_2(%arg0: i32) -> i32 {
    %c0_i32 = arith.constant 0 : i32
    return %arg0 : i32
  }
  func.func @transform_3(%arg0: i32) -> i32 {
    %c0_i32 = arith.constant 0 : i32
    return %arg0 : i32
  }
}

module attributes {stable_mosaic.version = 14 : i64} {
  func.func @_metric_body(%arg0: i32, %arg1: memref<512x64xf32, #tpu.memory_space<vmem>>, %arg2: memref<512xf32, #tpu.memory_space<vmem>>, %arg3: memref<16384x64xf32, #tpu.memory_space<vmem>>, %arg4: memref<16384xf32, #tpu.memory_space<vmem>>, %arg5: memref<512xf32, #tpu.memory_space<vmem>>) attributes {dimension_semantics = [#tpu.dimension_semantics<arbitrary>], iteration_bounds = array<i64: 32>, scalar_prefetch = 0 : i64, scratch_operands = 0 : i64, tpu.core_type = #tpu.core_type<tc>, window_params = [{transform_indices = @transform_0, window_bounds = array<i64: 512, 64>}, {transform_indices = @transform_1, window_bounds = array<i64: 512>}, {pipeline_mode = #tpu.pipeline_mode<synchronous>, transform_indices = @transform_2, window_bounds = array<i64: 16384, 64>}, {pipeline_mode = #tpu.pipeline_mode<synchronous>, transform_indices = @transform_3, window_bounds = array<i64: 16384>}, {transform_indices = @transform_4, window_bounds = array<i64: 512>}]} {
    %get3A = arith.constant 0 : index
    %get3A_0 = arith.constant 0 : index
    %get3A_1 = vector.load %arg1[%get3A, %get3A_0] : memref<512x64xf32, #tpu.memory_space<vmem>>, vector<512x64xf32>
    %get3A_2 = arith.constant 0 : index
    %get3A_3 = vector.load %arg2[%get3A_2] : memref<512xf32, #tpu.memory_space<vmem>>, vector<512xf32>
    %broadcast_in_dim3A = vector.shape_cast %get3A_3 : vector<512xf32> to vector<1x512xf32>
    %get3A_4 = arith.constant 0 : index
    %get3A_5 = arith.constant 0 : index
    %get3A_6 = vector.load %arg3[%get3A_4, %get3A_5] : memref<16384x64xf32, #tpu.memory_space<vmem>>, vector<16384x64xf32>
    %get3A_7 = arith.constant 0 : index
    %get3A_8 = vector.load %arg4[%get3A_7] : memref<16384xf32, #tpu.memory_space<vmem>>, vector<16384xf32>
    %broadcast_in_dim3A_9 = vector.shape_cast %get3A_8 : vector<16384xf32> to vector<16384x1xf32>
    %transpose3A = tpu.transpose %get3A_1, [1, 0] : vector<512x64xf32> -> vector<64x512xf32>
    %dot_general3A = arith.constant dense<0.000000e+00> : vector<16384x512xf32>
    %dot_general3A_10 = tpu.matmul %get3A_6, %transpose3A, %dot_general3A {dimension_numbers = #tpu.dot_dimension_numbers<[1], [0], [0], [1], [0, 0, 1, 1], [], []>, transpose_lhs_hint = false} : vector<16384x64xf32>, vector<64x512xf32>, vector<16384x512xf32> -> vector<16384x512xf32>
    %add3A = vector.broadcast %broadcast_in_dim3A : vector<1x512xf32> to vector<16384x512xf32>
    %add3A_11 = vector.broadcast %broadcast_in_dim3A_9 : vector<16384x1xf32> to vector<16384x512xf32>
    %add3A_12 = arith.addf %add3A, %add3A_11 : vector<16384x512xf32>
    %mul3A = arith.constant 2.000000e+00 : f32
    %mul3A_13 = vector.broadcast %mul3A : f32 to vector<16384x512xf32>
    %mul3A_14 = arith.mulf %mul3A_13, %dot_general3A_10 : vector<16384x512xf32>
    %sub3A = arith.subf %add3A_12, %mul3A_14 : vector<16384x512xf32>
    %max3A = arith.constant 9.99999996E-13 : f32
    %max3A_15 = vector.broadcast %max3A : f32 to vector<16384x512xf32>
    %max3A_16 = arith.maximumf %sub3A, %max3A_15 : vector<16384x512xf32>
    %sqrt3A = math.sqrt %max3A_16 : vector<16384x512xf32>
    %reshape3A = vector.shape_cast %sqrt3A : vector<16384x512xf32> to vector<32x64x8x512xf32>
    %reduce_sum3A = arith.constant dense<0.000000e+00> : vector<32x8x512xf32>
    %reduce_sum3A_17 = vector.multi_reduction <add>, %reshape3A, %reduce_sum3A [1] : vector<32x64x8x512xf32> to vector<32x8x512xf32>
    %slice3A = vector.extract_strided_slice %reduce_sum3A_17 {offsets = [0, 0, 0], sizes = [32, 4, 512], strides = [1, 1, 1]} : vector<32x8x512xf32> to vector<32x4x512xf32>
    %slice3A_18 = vector.extract_strided_slice %reduce_sum3A_17 {offsets = [0, 4, 0], sizes = [32, 4, 512], strides = [1, 1, 1]} : vector<32x8x512xf32> to vector<32x4x512xf32>
    %add3A_19 = arith.addf %slice3A, %slice3A_18 : vector<32x4x512xf32>
    %slice3A_20 = vector.extract_strided_slice %add3A_19 {offsets = [0, 0, 0], sizes = [32, 2, 512], strides = [1, 1, 1]} : vector<32x4x512xf32> to vector<32x2x512xf32>
    %slice3A_21 = vector.extract_strided_slice %add3A_19 {offsets = [0, 2, 0], sizes = [32, 2, 512], strides = [1, 1, 1]} : vector<32x4x512xf32> to vector<32x2x512xf32>
    %add3A_22 = arith.addf %slice3A_20, %slice3A_21 : vector<32x2x512xf32>
    %slice3A_23 = vector.extract_strided_slice %add3A_22 {offsets = [0, 0, 0], sizes = [32, 1, 512], strides = [1, 1, 1]} : vector<32x2x512xf32> to vector<32x1x512xf32>
    %squeeze3A = vector.shape_cast %slice3A_23 : vector<32x1x512xf32> to vector<32x512xf32>
    %slice3A_24 = vector.extract_strided_slice %add3A_22 {offsets = [0, 1, 0], sizes = [32, 1, 512], strides = [1, 1, 1]} : vector<32x2x512xf32> to vector<32x1x512xf32>
    %squeeze3A_25 = vector.shape_cast %slice3A_24 : vector<32x1x512xf32> to vector<32x512xf32>
    %add3A_26 = arith.addf %squeeze3A, %squeeze3A_25 : vector<32x512xf32>
    %slice3A_27 = vector.extract_strided_slice %add3A_26 {offsets = [0, 0], sizes = [1, 512], strides = [1, 1]} : vector<32x512xf32> to vector<1x512xf32>
    %squeeze3A_28 = vector.shape_cast %slice3A_27 : vector<1x512xf32> to vector<512xf32>
    %slice3A_29 = vector.extract_strided_slice %add3A_26 {offsets = [1, 0], sizes = [1, 512], strides = [1, 1]} : vector<32x512xf32> to vector<1x512xf32>
    %squeeze3A_30 = vector.shape_cast %slice3A_29 : vector<1x512xf32> to vector<512xf32>
    %add3A_31 = arith.addf %squeeze3A_28, %squeeze3A_30 : vector<512xf32>
    %slice3A_32 = vector.extract_strided_slice %add3A_26 {offsets = [2, 0], sizes = [1, 512], strides = [1, 1]} : vector<32x512xf32> to vector<1x512xf32>
    %squeeze3A_33 = vector.shape_cast %slice3A_32 : vector<1x512xf32> to vector<512xf32>
    %add3A_34 = arith.addf %add3A_31, %squeeze3A_33 : vector<512xf32>
    %slice3A_35 = vector.extract_strided_slice %add3A_26 {offsets = [3, 0], sizes = [1, 512], strides = [1, 1]} : vector<32x512xf32> to vector<1x512xf32>
    %squeeze3A_36 = vector.shape_cast %slice3A_35 : vector<1x512xf32> to vector<512xf32>
    %add3A_37 = arith.addf %add3A_34, %squeeze3A_36 : vector<512xf32>
    %slice3A_38 = vector.extract_strided_slice %add3A_26 {offsets = [4, 0], sizes = [1, 512], strides = [1, 1]} : vector<32x512xf32> to vector<1x512xf32>
    %squeeze3A_39 = vector.shape_cast %slice3A_38 : vector<1x512xf32> to vector<512xf32>
    %add3A_40 = arith.addf %add3A_37, %squeeze3A_39 : vector<512xf32>
    %slice3A_41 = vector.extract_strided_slice %add3A_26 {offsets = [5, 0], sizes = [1, 512], strides = [1, 1]} : vector<32x512xf32> to vector<1x512xf32>
    %squeeze3A_42 = vector.shape_cast %slice3A_41 : vector<1x512xf32> to vector<512xf32>
    %add3A_43 = arith.addf %add3A_40, %squeeze3A_42 : vector<512xf32>
    %slice3A_44 = vector.extract_strided_slice %add3A_26 {offsets = [6, 0], sizes = [1, 512], strides = [1, 1]} : vector<32x512xf32> to vector<1x512xf32>
    %squeeze3A_45 = vector.shape_cast %slice3A_44 : vector<1x512xf32> to vector<512xf32>
    %add3A_46 = arith.addf %add3A_43, %squeeze3A_45 : vector<512xf32>
    %slice3A_47 = vector.extract_strided_slice %add3A_26 {offsets = [7, 0], sizes = [1, 512], strides = [1, 1]} : vector<32x512xf32> to vector<1x512xf32>
    %squeeze3A_48 = vector.shape_cast %slice3A_47 : vector<1x512xf32> to vector<512xf32>
    %add3A_49 = arith.addf %add3A_46, %squeeze3A_48 : vector<512xf32>
    %slice3A_50 = vector.extract_strided_slice %add3A_26 {offsets = [8, 0], sizes = [1, 512], strides = [1, 1]} : vector<32x512xf32> to vector<1x512xf32>
    %squeeze3A_51 = vector.shape_cast %slice3A_50 : vector<1x512xf32> to vector<512xf32>
    %add3A_52 = arith.addf %add3A_49, %squeeze3A_51 : vector<512xf32>
    %slice3A_53 = vector.extract_strided_slice %add3A_26 {offsets = [9, 0], sizes = [1, 512], strides = [1, 1]} : vector<32x512xf32> to vector<1x512xf32>
    %squeeze3A_54 = vector.shape_cast %slice3A_53 : vector<1x512xf32> to vector<512xf32>
    %add3A_55 = arith.addf %add3A_52, %squeeze3A_54 : vector<512xf32>
    %slice3A_56 = vector.extract_strided_slice %add3A_26 {offsets = [10, 0], sizes = [1, 512], strides = [1, 1]} : vector<32x512xf32> to vector<1x512xf32>
    %squeeze3A_57 = vector.shape_cast %slice3A_56 : vector<1x512xf32> to vector<512xf32>
    %add3A_58 = arith.addf %add3A_55, %squeeze3A_57 : vector<512xf32>
    %slice3A_59 = vector.extract_strided_slice %add3A_26 {offsets = [11, 0], sizes = [1, 512], strides = [1, 1]} : vector<32x512xf32> to vector<1x512xf32>
    %squeeze3A_60 = vector.shape_cast %slice3A_59 : vector<1x512xf32> to vector<512xf32>
    %add3A_61 = arith.addf %add3A_58, %squeeze3A_60 : vector<512xf32>
    %slice3A_62 = vector.extract_strided_slice %add3A_26 {offsets = [12, 0], sizes = [1, 512], strides = [1, 1]} : vector<32x512xf32> to vector<1x512xf32>
    %squeeze3A_63 = vector.shape_cast %slice3A_62 : vector<1x512xf32> to vector<512xf32>
    %add3A_64 = arith.addf %add3A_61, %squeeze3A_63 : vector<512xf32>
    %slice3A_65 = vector.extract_strided_slice %add3A_26 {offsets = [13, 0], sizes = [1, 512], strides = [1, 1]} : vector<32x512xf32> to vector<1x512xf32>
    %squeeze3A_66 = vector.shape_cast %slice3A_65 : vector<1x512xf32> to vector<512xf32>
    %add3A_67 = arith.addf %add3A_64, %squeeze3A_66 : vector<512xf32>
    %slice3A_68 = vector.extract_strided_slice %add3A_26 {offsets = [14, 0], sizes = [1, 512], strides = [1, 1]} : vector<32x512xf32> to vector<1x512xf32>
    %squeeze3A_69 = vector.shape_cast %slice3A_68 : vector<1x512xf32> to vector<512xf32>
    %add3A_70 = arith.addf %add3A_67, %squeeze3A_69 : vector<512xf32>
    %slice3A_71 = vector.extract_strided_slice %add3A_26 {offsets = [15, 0], sizes = [1, 512], strides = [1, 1]} : vector<32x512xf32> to vector<1x512xf32>
    %squeeze3A_72 = vector.shape_cast %slice3A_71 : vector<1x512xf32> to vector<512xf32>
    %add3A_73 = arith.addf %add3A_70, %squeeze3A_72 : vector<512xf32>
    %slice3A_74 = vector.extract_strided_slice %add3A_26 {offsets = [16, 0], sizes = [1, 512], strides = [1, 1]} : vector<32x512xf32> to vector<1x512xf32>
    %squeeze3A_75 = vector.shape_cast %slice3A_74 : vector<1x512xf32> to vector<512xf32>
    %add3A_76 = arith.addf %add3A_73, %squeeze3A_75 : vector<512xf32>
    %slice3A_77 = vector.extract_strided_slice %add3A_26 {offsets = [17, 0], sizes = [1, 512], strides = [1, 1]} : vector<32x512xf32> to vector<1x512xf32>
    %squeeze3A_78 = vector.shape_cast %slice3A_77 : vector<1x512xf32> to vector<512xf32>
    %add3A_79 = arith.addf %add3A_76, %squeeze3A_78 : vector<512xf32>
    %slice3A_80 = vector.extract_strided_slice %add3A_26 {offsets = [18, 0], sizes = [1, 512], strides = [1, 1]} : vector<32x512xf32> to vector<1x512xf32>
    %squeeze3A_81 = vector.shape_cast %slice3A_80 : vector<1x512xf32> to vector<512xf32>
    %add3A_82 = arith.addf %add3A_79, %squeeze3A_81 : vector<512xf32>
    %slice3A_83 = vector.extract_strided_slice %add3A_26 {offsets = [19, 0], sizes = [1, 512], strides = [1, 1]} : vector<32x512xf32> to vector<1x512xf32>
    %squeeze3A_84 = vector.shape_cast %slice3A_83 : vector<1x512xf32> to vector<512xf32>
    %add3A_85 = arith.addf %add3A_82, %squeeze3A_84 : vector<512xf32>
    %slice3A_86 = vector.extract_strided_slice %add3A_26 {offsets = [20, 0], sizes = [1, 512], strides = [1, 1]} : vector<32x512xf32> to vector<1x512xf32>
    %squeeze3A_87 = vector.shape_cast %slice3A_86 : vector<1x512xf32> to vector<512xf32>
    %add3A_88 = arith.addf %add3A_85, %squeeze3A_87 : vector<512xf32>
    %slice3A_89 = vector.extract_strided_slice %add3A_26 {offsets = [21, 0], sizes = [1, 512], strides = [1, 1]} : vector<32x512xf32> to vector<1x512xf32>
    %squeeze3A_90 = vector.shape_cast %slice3A_89 : vector<1x512xf32> to vector<512xf32>
    %add3A_91 = arith.addf %add3A_88, %squeeze3A_90 : vector<512xf32>
    %slice3A_92 = vector.extract_strided_slice %add3A_26 {offsets = [22, 0], sizes = [1, 512], strides = [1, 1]} : vector<32x512xf32> to vector<1x512xf32>
    %squeeze3A_93 = vector.shape_cast %slice3A_92 : vector<1x512xf32> to vector<512xf32>
    %add3A_94 = arith.addf %add3A_91, %squeeze3A_93 : vector<512xf32>
    %slice3A_95 = vector.extract_strided_slice %add3A_26 {offsets = [23, 0], sizes = [1, 512], strides = [1, 1]} : vector<32x512xf32> to vector<1x512xf32>
    %squeeze3A_96 = vector.shape_cast %slice3A_95 : vector<1x512xf32> to vector<512xf32>
    %add3A_97 = arith.addf %add3A_94, %squeeze3A_96 : vector<512xf32>
    %slice3A_98 = vector.extract_strided_slice %add3A_26 {offsets = [24, 0], sizes = [1, 512], strides = [1, 1]} : vector<32x512xf32> to vector<1x512xf32>
    %squeeze3A_99 = vector.shape_cast %slice3A_98 : vector<1x512xf32> to vector<512xf32>
    %add3A_100 = arith.addf %add3A_97, %squeeze3A_99 : vector<512xf32>
    %slice3A_101 = vector.extract_strided_slice %add3A_26 {offsets = [25, 0], sizes = [1, 512], strides = [1, 1]} : vector<32x512xf32> to vector<1x512xf32>
    %squeeze3A_102 = vector.shape_cast %slice3A_101 : vector<1x512xf32> to vector<512xf32>
    %add3A_103 = arith.addf %add3A_100, %squeeze3A_102 : vector<512xf32>
    %slice3A_104 = vector.extract_strided_slice %add3A_26 {offsets = [26, 0], sizes = [1, 512], strides = [1, 1]} : vector<32x512xf32> to vector<1x512xf32>
    %squeeze3A_105 = vector.shape_cast %slice3A_104 : vector<1x512xf32> to vector<512xf32>
    %add3A_106 = arith.addf %add3A_103, %squeeze3A_105 : vector<512xf32>
    %slice3A_107 = vector.extract_strided_slice %add3A_26 {offsets = [27, 0], sizes = [1, 512], strides = [1, 1]} : vector<32x512xf32> to vector<1x512xf32>
    %squeeze3A_108 = vector.shape_cast %slice3A_107 : vector<1x512xf32> to vector<512xf32>
    %add3A_109 = arith.addf %add3A_106, %squeeze3A_108 : vector<512xf32>
    %slice3A_110 = vector.extract_strided_slice %add3A_26 {offsets = [28, 0], sizes = [1, 512], strides = [1, 1]} : vector<32x512xf32> to vector<1x512xf32>
    %squeeze3A_111 = vector.shape_cast %slice3A_110 : vector<1x512xf32> to vector<512xf32>
    %add3A_112 = arith.addf %add3A_109, %squeeze3A_111 : vector<512xf32>
    %slice3A_113 = vector.extract_strided_slice %add3A_26 {offsets = [29, 0], sizes = [1, 512], strides = [1, 1]} : vector<32x512xf32> to vector<1x512xf32>
    %squeeze3A_114 = vector.shape_cast %slice3A_113 : vector<1x512xf32> to vector<512xf32>
    %add3A_115 = arith.addf %add3A_112, %squeeze3A_114 : vector<512xf32>
    %slice3A_116 = vector.extract_strided_slice %add3A_26 {offsets = [30, 0], sizes = [1, 512], strides = [1, 1]} : vector<32x512xf32> to vector<1x512xf32>
    %squeeze3A_117 = vector.shape_cast %slice3A_116 : vector<1x512xf32> to vector<512xf32>
    %add3A_118 = arith.addf %add3A_115, %squeeze3A_117 : vector<512xf32>
    %slice3A_119 = vector.extract_strided_slice %add3A_26 {offsets = [31, 0], sizes = [1, 512], strides = [1, 1]} : vector<32x512xf32> to vector<1x512xf32>
    %squeeze3A_120 = vector.shape_cast %slice3A_119 : vector<1x512xf32> to vector<512xf32>
    %add3A_121 = arith.addf %add3A_118, %squeeze3A_120 : vector<512xf32>
    %swap3A = arith.constant 0 : index
    %swap3A_122 = vector.load %arg5[%swap3A] : memref<512xf32, #tpu.memory_space<vmem>>, vector<512xf32>
    tpu.vector_store %arg5[%swap3A], %add3A_121 {strides = array<i32>} : memref<512xf32, #tpu.memory_space<vmem>>, vector<512xf32>,
    return
  }
  func.func @transform_0(%arg0: i32) -> (i32, i32) {
    %c0_i32 = arith.constant 0 : i32
    %c0_i32_0 = arith.constant 0 : i32
    return %arg0, %c0_i32 : i32, i32
  }
  func.func @transform_1(%arg0: i32) -> i32 {
    %c0_i32 = arith.constant 0 : i32
    return %arg0 : i32
  }
  func.func @transform_2(%arg0: i32) -> (i32, i32) {
    %c0_i32 = arith.constant 0 : i32
    %c0_i32_0 = arith.constant 0 : i32
    %c0_i32_1 = arith.constant 0 : i32
    return %c0_i32, %c0_i32_0 : i32, i32
  }
  func.func @transform_3(%arg0: i32) -> i32 {
    %c0_i32 = arith.constant 0 : i32
    %c0_i32_0 = arith.constant 0 : i32
    return %c0_i32 : i32
  }
  func.func @transform_4(%arg0: i32) -> i32 {
    %c0_i32 = arith.constant 0 : i32
    return %arg0 : i32
  }
}

module attributes {stable_mosaic.version = 14 : i64} {
  func.func @_select_body(%arg0: memref<16384xi32, #tpu.memory_space<vmem>>, %arg1: memref<16384xi32, #tpu.memory_space<vmem>>) attributes {dimension_semantics = [], scalar_prefetch = 0 : i64, scratch_operands = 0 : i64, tpu.core_type = #tpu.core_type<tc>} {
    %get3A = arith.constant 0 : index
    %get3A_0 = vector.load %arg0[%get3A] : memref<16384xi32, #tpu.memory_space<vmem>>, vector<16384xi32>
    %reshape3A = vector.shape_cast %get3A_0 : vector<16384xi32> to vector<128x128xi32>
    %scan3A = arith.constant 0 : i32
    %scan3A_1 = arith.constant 0 : i32
    %scan3A_2 = arith.constant 31 : i32
    %scan3A_3 = arith.addi %scan3A_1, %scan3A_2 : i32
    %scan3A_4 = arith.constant 1 : i32
    %scan3A_5 = scf.for %scan3A_48 = %scan3A_1 to %scan3A_3 step %scan3A_4 iter_args(%scan3A_49 = %scan3A) -> (i32)  : i32 {
      %sub3A_50 = arith.constant 30 : i32
      %sub3A_51 = arith.subi %sub3A_50, %scan3A_48 : i32
      %shift_left3A = arith.constant 1 : i32
      %shift_left3A_52 = arith.shli %shift_left3A, %sub3A_51 : i32
      %or3A_53 = arith.ori %scan3A_49, %shift_left3A_52 : i32
      %ge3A = vector.broadcast %or3A_53 : i32 to vector<128x128xi32>
      %ge3A_54 = arith.cmpi sge, %reshape3A, %ge3A : vector<128x128xi32>
      %convert_element_type3A_55 = arith.extui %ge3A_54 : vector<128x128xi1> to vector<128x128xi32>
      %reduce_sum3A_56 = vector.shape_cast %convert_element_type3A_55 : vector<128x128xi32> to vector<1x128x128xi32>
      %reduce_sum3A_57 = arith.constant dense<0> : vector<1xi32>
      %reduce_sum3A_58 = vector.multi_reduction <add>, %reduce_sum3A_56, %reduce_sum3A_57 [1, 2] : vector<1x128x128xi32> to vector<1xi32>
      %reduce_sum3A_59 = vector.shape_cast %reduce_sum3A_58 : vector<1xi32> to vector<1x1x1xi32>
      %reduce_sum3A_60 = vector.extract %reduce_sum3A_59[0, 0, 0] : i32 from vector<1x1x1xi32>
      %ge3A_61 = arith.constant 4096 : i32
      %ge3A_62 = arith.cmpi sge, %reduce_sum3A_60, %ge3A_61 : i32
      %select_n3A_63 = arith.select %ge3A_62, %or3A_53, %scan3A_49 : i32
      scf.yield %select_n3A_63 : i32
    }
    %scan3A_6 = arith.constant 31 : i32
    %gt3A = vector.broadcast %scan3A_5 : i32 to vector<128x128xi32>
    %gt3A_7 = arith.cmpi sgt, %reshape3A, %gt3A : vector<128x128xi32>
    %convert_element_type3A = arith.extui %gt3A_7 : vector<128x128xi1> to vector<128x128xi32>
    %reduce_sum3A = vector.shape_cast %convert_element_type3A : vector<128x128xi32> to vector<1x128x128xi32>
    %reduce_sum3A_8 = arith.constant dense<0> : vector<1xi32>
    %reduce_sum3A_9 = vector.multi_reduction <add>, %reduce_sum3A, %reduce_sum3A_8 [1, 2] : vector<1x128x128xi32> to vector<1xi32>
    %reduce_sum3A_10 = vector.shape_cast %reduce_sum3A_9 : vector<1xi32> to vector<1x1x1xi32>
    %reduce_sum3A_11 = vector.extract %reduce_sum3A_10[0, 0, 0] : i32 from vector<1x1x1xi32>
    %sub3A = arith.constant 4096 : i32
    %sub3A_12 = arith.subi %sub3A, %reduce_sum3A_11 : i32
    %iota3A = tpu.iota {dimensions = array<i32: 0>} : vector<128x128xi32>
    %iota3A_13 = tpu.iota {dimensions = array<i32: 1>} : vector<128x128xi32>
    %lt3A = arith.cmpi slt, %iota3A, %iota3A_13 : vector<128x128xi32>
    %convert_element_type3A_14 = arith.extui %lt3A : vector<128x128xi1> to vector<128x128xi32>
    %convert_element_type3A_15 = arith.sitofp %convert_element_type3A_14 : vector<128x128xi32> to vector<128x128xf32>
    %eq3A = vector.broadcast %scan3A_5 : i32 to vector<128x128xi32>
    %eq3A_16 = arith.cmpi eq, %reshape3A, %eq3A : vector<128x128xi32>
    %convert_element_type3A_17 = arith.extui %eq3A_16 : vector<128x128xi1> to vector<128x128xi32>
    %convert_element_type3A_18 = arith.sitofp %convert_element_type3A_17 : vector<128x128xi32> to vector<128x128xf32>
    %dot_general3A = arith.constant dense<0.000000e+00> : vector<128x128xf32>
    %dot_general3A_19 = tpu.matmul %convert_element_type3A_18, %convert_element_type3A_15, %dot_general3A {dimension_numbers = #tpu.dot_dimension_numbers<[1], [0], [0], [1], [0, 0, 1, 1], [], []>, transpose_lhs_hint = false} : vector<128x128xf32>, vector<128x128xf32>, vector<128x128xf32> -> vector<128x128xf32>
    %reduce_sum3A_20 = arith.constant dense<0.000000e+00> : vector<128xf32>
    %reduce_sum3A_21 = vector.multi_reduction <add>, %convert_element_type3A_18, %reduce_sum3A_20 [1] : vector<128x128xf32> to vector<128xf32>
    %broadcast_in_dim3A = vector.shape_cast %reduce_sum3A_21 : vector<128xf32> to vector<1x128xf32>
    %dot_general3A_22 = arith.constant dense<0.000000e+00> : vector<1x128xf32>
    %dot_general3A_23 = tpu.matmul %broadcast_in_dim3A, %convert_element_type3A_15, %dot_general3A_22 {dimension_numbers = #tpu.dot_dimension_numbers<[1], [0], [0], [1], [0, 0, 1, 1], [], []>, transpose_lhs_hint = false} : vector<1x128xf32>, vector<128x128xf32>, vector<1x128xf32> -> vector<1x128xf32>
    %squeeze3A = vector.shape_cast %dot_general3A_23 : vector<1x128xf32> to vector<128xf32>
    %broadcast_in_dim3A_24 = vector.shape_cast %squeeze3A : vector<128xf32> to vector<128x1xf32>
    %add3A = vector.broadcast %broadcast_in_dim3A_24 : vector<128x1xf32> to vector<128x128xf32>
    %add3A_25 = arith.addf %add3A, %dot_general3A_19 : vector<128x128xf32>
    %convert_element_type3A_26 = arith.fptosi %add3A_25 : vector<128x128xf32> to vector<128x128xi32>
    %gt3A_27 = vector.broadcast %scan3A_5 : i32 to vector<128x128xi32>
    %gt3A_28 = arith.cmpi sgt, %reshape3A, %gt3A_27 : vector<128x128xi32>
    %lt3A_29 = vector.broadcast %sub3A_12 : i32 to vector<128x128xi32>
    %lt3A_30 = arith.cmpi slt, %convert_element_type3A_26, %lt3A_29 : vector<128x128xi32>
    %and3A = arith.andi %eq3A_16, %lt3A_30 : vector<128x128xi1>
    %or3A = arith.ori %gt3A_28, %and3A : vector<128x128xi1>
    %convert_element_type3A_31 = arith.extui %or3A : vector<128x128xi1> to vector<128x128xi32>
    %convert_element_type3A_32 = arith.sitofp %convert_element_type3A_31 : vector<128x128xi32> to vector<128x128xf32>
    %dot_general3A_33 = arith.constant dense<0.000000e+00> : vector<128x128xf32>
    %dot_general3A_34 = tpu.matmul %convert_element_type3A_32, %convert_element_type3A_15, %dot_general3A_33 {dimension_numbers = #tpu.dot_dimension_numbers<[1], [0], [0], [1], [0, 0, 1, 1], [], []>, transpose_lhs_hint = false} : vector<128x128xf32>, vector<128x128xf32>, vector<128x128xf32> -> vector<128x128xf32>
    %reduce_sum3A_35 = arith.constant dense<0.000000e+00> : vector<128xf32>
    %reduce_sum3A_36 = vector.multi_reduction <add>, %convert_element_type3A_32, %reduce_sum3A_35 [1] : vector<128x128xf32> to vector<128xf32>
    %broadcast_in_dim3A_37 = vector.shape_cast %reduce_sum3A_36 : vector<128xf32> to vector<1x128xf32>
    %dot_general3A_38 = arith.constant dense<0.000000e+00> : vector<1x128xf32>
    %dot_general3A_39 = tpu.matmul %broadcast_in_dim3A_37, %convert_element_type3A_15, %dot_general3A_38 {dimension_numbers = #tpu.dot_dimension_numbers<[1], [0], [0], [1], [0, 0, 1, 1], [], []>, transpose_lhs_hint = false} : vector<1x128xf32>, vector<128x128xf32>, vector<1x128xf32> -> vector<1x128xf32>
    %squeeze3A_40 = vector.shape_cast %dot_general3A_39 : vector<1x128xf32> to vector<128xf32>
    %broadcast_in_dim3A_41 = vector.shape_cast %squeeze3A_40 : vector<128xf32> to vector<128x1xf32>
    %add3A_42 = vector.broadcast %broadcast_in_dim3A_41 : vector<128x1xf32> to vector<128x128xf32>
    %add3A_43 = arith.addf %add3A_42, %dot_general3A_34 : vector<128x128xf32>
    %convert_element_type3A_44 = arith.fptosi %add3A_43 : vector<128x128xf32> to vector<128x128xi32>
    %jit3A = arith.constant 4096 : i32
    %broadcast_in_dim3A_45 = vector.broadcast %jit3A : i32 to vector<128x128xi32>
    %select_n3A = arith.select %or3A, %convert_element_type3A_44, %broadcast_in_dim3A_45 : vector<128x128xi1>, vector<128x128xi32>
    %reshape3A_46 = vector.shape_cast %select_n3A : vector<128x128xi32> to vector<16384xi32>
    %swap3A = arith.constant 0 : index
    %swap3A_47 = vector.load %arg1[%swap3A] : memref<16384xi32, #tpu.memory_space<vmem>>, vector<16384xi32>
    tpu.vector_store %arg1[%swap3A], %reshape3A_46 {strides = array<i32>} : memref<16384xi32, #tpu.memory_space<vmem>>, vector<16384xi32>,
    return
  }
}

module attributes {stable_mosaic.version = 14 : i64} {
  func.func @_rank_body(%arg0: i32, %arg1: memref<1024xi32, #tpu.memory_space<vmem>>, %arg2: memref<4096xi32, #tpu.memory_space<vmem>>, %arg3: memref<1024xi32, #tpu.memory_space<vmem>>) attributes {dimension_semantics = [#tpu.dimension_semantics<arbitrary>], iteration_bounds = array<i64: 4>, scalar_prefetch = 0 : i64, scratch_operands = 0 : i64, tpu.core_type = #tpu.core_type<tc>, window_params = [{transform_indices = @transform_0, window_bounds = array<i64: 1024>}, {pipeline_mode = #tpu.pipeline_mode<synchronous>, transform_indices = @transform_1, window_bounds = array<i64: 4096>}, {transform_indices = @transform_2, window_bounds = array<i64: 1024>}]} {
    %get3A = arith.constant 0 : index
    %get3A_0 = vector.load %arg1[%get3A] : memref<1024xi32, #tpu.memory_space<vmem>>, vector<1024xi32>
    %broadcast_in_dim3A = vector.shape_cast %get3A_0 : vector<1024xi32> to vector<1024x1xi32>
    %get3A_1 = arith.constant 0 : index
    %get3A_2 = vector.load %arg2[%get3A_1] : memref<4096xi32, #tpu.memory_space<vmem>>, vector<4096xi32>
    %broadcast_in_dim3A_3 = vector.shape_cast %get3A_2 : vector<4096xi32> to vector<1x4096xi32>
    %mul3A = arith.constant 1024 : i32
    %mul3A_4 = arith.muli %arg0, %mul3A : i32
    %iota3A = tpu.iota {dimensions = array<i32: 0>} : vector<1024x4096xi32>
    %add3A = vector.broadcast %mul3A_4 : i32 to vector<1024x4096xi32>
    %add3A_5 = arith.addi %add3A, %iota3A : vector<1024x4096xi32>
    %iota3A_6 = tpu.iota {dimensions = array<i32: 1>} : vector<1024x4096xi32>
    %gt3A = vector.broadcast %broadcast_in_dim3A_3 : vector<1x4096xi32> to vector<1024x4096xi32>
    %gt3A_7 = vector.broadcast %broadcast_in_dim3A : vector<1024x1xi32> to vector<1024x4096xi32>
    %gt3A_8 = arith.cmpi sgt, %gt3A, %gt3A_7 : vector<1024x4096xi32>
    %eq3A = vector.broadcast %broadcast_in_dim3A_3 : vector<1x4096xi32> to vector<1024x4096xi32>
    %eq3A_9 = vector.broadcast %broadcast_in_dim3A : vector<1024x1xi32> to vector<1024x4096xi32>
    %eq3A_10 = arith.cmpi eq, %eq3A, %eq3A_9 : vector<1024x4096xi32>
    %lt3A = arith.cmpi slt, %iota3A_6, %add3A_5 : vector<1024x4096xi32>
    %and3A = arith.andi %eq3A_10, %lt3A : vector<1024x4096xi1>
    %or3A = arith.ori %gt3A_8, %and3A : vector<1024x4096xi1>
    %convert_element_type3A = arith.extui %or3A : vector<1024x4096xi1> to vector<1024x4096xi32>
    %reduce_sum3A = arith.constant dense<0> : vector<1024xi32>
    %reduce_sum3A_11 = vector.multi_reduction <add>, %convert_element_type3A, %reduce_sum3A [1] : vector<1024x4096xi32> to vector<1024xi32>
    %swap3A = arith.constant 0 : index
    %swap3A_12 = vector.load %arg3[%swap3A] : memref<1024xi32, #tpu.memory_space<vmem>>, vector<1024xi32>
    tpu.vector_store %arg3[%swap3A], %reduce_sum3A_11 {strides = array<i32>} : memref<1024xi32, #tpu.memory_space<vmem>>, vector<1024xi32>,
    return
  }
  func.func @transform_0(%arg0: i32) -> i32 {
    %c0_i32 = arith.constant 0 : i32
    return %arg0 : i32
  }
  func.func @transform_1(%arg0: i32) -> i32 {
    %c0_i32 = arith.constant 0 : i32
    %c0_i32_0 = arith.constant 0 : i32
    return %c0_i32 : i32
  }
  func.func @transform_2(%arg0: i32) -> i32 {
    %c0_i32 = arith.constant 0 : i32
    return %arg0 : i32
  }
}

</mosaic_0001>

<sc_bundles>
// kernel: kernel.12.cloned.1.call-start
scs
__scs_entry_jumppad:
0x0: {  	(pc) =	sbr.rel $0x88, $3  }
0x1: {  	(tag) =	ssettag $0x0;
	lr =	simm.s32 $0x1  }
0x2: {  	[smem:$0x3F9F] =	sst lr;
	_ =	strace $0xD0000000  }
0x3: {  	_ = 	snop  }
0x4: {  	_ = 	snop  }
0x5: {  	_ = 	snop  }
0x6: {  	_ = 	snop  }
0x7: {  	_ = 	snop  }
__scs_overlays_trampoline_lowered:
0x8: {  	[smem:$0x3FAE] =	sst s0  }
0x9: {  	[smem:$0x3FAF] =	sst s1  }
0xa: {  	[smem:$0x3FB0] =	sst s2  }
0xb: {  	[smem:$0x3FB1] =	sst s3  }
0xc: {  	[smem:$0x3FB2] =	sst s4  }
0xd: {  	[smem:$0x3FB3] =	sst s5  }
0xe: {  	[smem:$0x3FB4] =	sst s6  }
0xf: {  	[smem:$0x3FB5] =	sst s7  }
0x10: {  	[smem:$0x3FB6] =	sst s8  }
0x11: {  	[smem:$0x3FB7] =	sst s9;
	s0 =	simm.s32 @!p0 $0x0  }
0x12: {  	s1 =	sld [smem:$0x3F9D];
	s0 =	simm.s32 @p0 $0x1  }
0x13: {  	[smem:$0x3FB8] =	sst s0;
	s0 =	simm.s32 @!p1 $0x0  }
0x14: {  	s2 =	sld [smem:$0x3F9C];
	s0 =	simm.s32 @p1 $0x1  }
0x15: {  	[smem:$0x3FB9] =	sst s0;
	s0 =	simm.s32 @!p2 $0x0  }
0x16: {  	s3 =	sld [smem:$0x3FDB];
	s0 =	simm.s32 @p2 $0x1  }
0x17: {  	s4 =	simm.s32 $0x1BF5;
	[smem:$0x3FBB] =	sst s0  }
0x18: {  	s0 =	sld [smem:$0x3F9E];
	_ =	swait.ge [sflag:s4], $0x0  }
0x19: {  	s7 =	sld [smem:$0x3F9F]  }
0x1a: {  	s8 =	sadd.s32 $0xFFFFE003, lr  }
0x1b: {  	s9 =	sadd.s32 $0xFFFFFEF7, lr;
	s5 =	simm.s32 $0xFFFFFFFF;
	p2 =	slt.u32 s8, $0xFFFFF086  }
0x1c: {  	p1 =	slt.u32 s9, $0xF7A;
	s5 =	simm.s32 @!p2 $0x0  }
0x1d: {  	s5 =	simm.s32 @p1 $0x1;
	p0 =	seq.s32 s7, s2  }
0x1e: {  	s7 =	smul.u32 @!p0 $0xF7A, s2;
	p2 =	seq.s32 @!p0 s5, $0x0  }
0x1f: {  	s9 =	smul.u32 $0xF7A, s1;
	s8 =	simm.s32 @!p0 $0x1BF5;
	p2 =	por !p2, p0  }
0x20: {  	[sflag:s8] =	ssyncset.s32 @!p0 $0xFFFFF086;
	s6 =	sadd.s32 @!p0 s3, s7;
	s7 =	simm.s32 @!p0 $0x108  }
0x21: {  	s3 =	sadd.s32 s3, s9;
	s6 =	sadd.s32 @!p0 $0x88, s6;
	s7 =	simm.s32 @p2 $0x1082  }
0x22: {  	[simem:s7], [sflag:s8] =	dma.local @!p0 [hbm:s6], $0xF7A  }
0x23: {  	s9 =	sor.u32 $0xD0000000, s2;
	s6 =	simm.s32 $0x108;
	_ =	swait.ge @!p0 [sflag:s8], $0x0  }
0x24: {  	s3 =	sadd.s32 $0x88, s3;
	s6 =	simm.s32 @!p1 $0x1082;
	[sflag:s4] =	ssyncset.s32 $0xFFFFF086  }
0x25: {  	[simem:s6], [sflag:s4] =	dma.local [hbm:s3], $0xF7A  }
0x26: {  	[smem:$0x3F9F] =	sst s1;
	(tag) =	ssettag s2;
	_ =	strace s9  }
0x27: {  	s1 =	sld [smem:$0x3FAF]  }
0x28: {  	s2 =	sld [smem:$0x3FB0]  }
0x29: {  	s4 =	sld [smem:$0x3FB2]  }
0x2a: {  	p0 =	seq.s32 s5, $0x0;
	s5 =	sld [smem:$0x3FB3]  }
0x2b: {  	s6 =	sld [smem:$0x3FB4]  }
0x2c: {  	s7 =	sld [smem:$0x3FB5]  }
0x2d: {  	s3 =	simm.s32 $0x108;
	s8 =	sld [smem:$0x3FB6]  }
0x2e: {  	s3 =	simm.s32 @!p0 $0x1082;
	s9 =	sld [smem:$0x3FB7]  }
0x2f: {  	lr =	sadd.s32 s0, s3;
	s0 =	sld [smem:$0x3FAE]  }
0x30: {  	s3 =	sld [smem:$0x3FB1]  }
0x31: {  	[smem:$0x3FBA] =	sst s10  }
0x32: {  	s10 =	sld [smem:$0x3FB8];
	_ =	sdelay $0x3  }
0x33: {  	p0 =	seq.s32 s10, $0x1;
	s10 =	sld [smem:$0x3FBA];
	_ =	sdelay $0x3  }
0x34: {  	[smem:$0x3FBA] =	sst s10  }
0x35: {  	s10 =	sld [smem:$0x3FB9];
	_ =	sdelay $0x3  }
0x36: {  	p1 =	seq.s32 s10, $0x1;
	s10 =	sld [smem:$0x3FBA];
	_ =	sdelay $0x3  }
0x37: {  	[smem:$0x3FBA] =	sst s10  }
0x38: {  	s10 =	sld [smem:$0x3FBB]  }
0x39: {  	_ = 	snop;
	(pc) =	sbr.ind lr, $3  }
0x3a: {  	_ = 	snop  }
0x3b: {  	_ = 	snop  }
0x3c: {  	p2 =	seq.s32 s10, $0x1;
	s10 =	sld [smem:$0x3FBA]  }
0x3d: {  	_ =	shalt  }
0x3e: {  	_ =	shalt  }
0x3f: {  	_ =	shalt  }
0x40: {  	_ =	shalt  }
0x41: {  	_ =	shalt  }
0x42: {  	_ =	shalt  }
0x43: {  	_ =	shalt  }
0x44: {  	_ =	shalt  }
0x45: {  	_ =	shalt  }
0x46: {  	_ =	shalt  }
0x47: {  	_ =	shalt  }
0x48: {  	_ =	shalt  }
0x49: {  	_ =	shalt  }
0x4a: {  	_ =	shalt  }
0x4b: {  	_ =	shalt  }
0x4c: {  	_ =	shalt  }
0x4d: {  	_ =	shalt  }
0x4e: {  	_ =	shalt  }
0x4f: {  	_ =	shalt  }
0x50: {  	_ =	shalt  }
0x51: {  	_ =	shalt  }
0x52: {  	_ =	shalt  }
0x53: {  	_ =	shalt  }
0x54: {  	_ =	shalt  }
0x55: {  	_ =	shalt  }
0x56: {  	_ =	shalt  }
0x57: {  	_ =	shalt  }
0x58: {  	_ =	shalt  }
0x59: {  	_ =	shalt  }
0x5a: {  	_ =	shalt  }
0x5b: {  	_ =	shalt  }
0x5c: {  	_ =	shalt  }
0x5d: {  	_ =	shalt  }
0x5e: {  	_ =	shalt  }
0x5f: {  	_ =	shalt  }
0x60: {  	_ =	shalt  }
0x61: {  	_ =	shalt  }
0x62: {  	_ =	shalt  }
0x63: {  	_ =	shalt  }
0x64: {  	_ =	shalt  }
0x65: {  	_ =	shalt  }
0x66: {  	_ =	shalt  }
0x67: {  	_ =	shalt  }
0x68: {  	_ =	shalt  }
0x69: {  	_ =	shalt  }
0x6a: {  	_ =	shalt  }
0x6b: {  	_ =	shalt  }
0x6c: {  	_ =	shalt  }
0x6d: {  	_ =	shalt  }
0x6e: {  	_ =	shalt  }
0x6f: {  	_ =	shalt  }
0x70: {  	_ =	shalt  }
0x71: {  	_ =	shalt  }
0x72: {  	_ =	shalt  }
0x73: {  	_ =	shalt  }
0x74: {  	_ =	shalt  }
0x75: {  	_ =	shalt  }
0x76: {  	_ =	shalt  }
0x77: {  	_ =	shalt  }
0x78: {  	_ =	shalt  }
0x79: {  	_ =	shalt  }
0x7a: {  	_ =	shalt  }
0x7b: {  	_ =	shalt  }
0x7c: {  	_ =	shalt  }
0x7d: {  	_ =	shalt  }
0x7e: {  	_ =	shalt  }
0x7f: {  	_ =	shalt  }
0x80: {  	_ =	shalt  }
0x81: {  	_ =	shalt  }
0x82: {  	_ =	shalt  }
0x83: {  	_ =	shalt  }
0x84: {  	_ =	shalt  }
0x85: {  	_ =	shalt  }
0x86: {  	_ =	shalt  }
0x87: {  	_ =	shalt  }
.Lfunc_end0:
.L_simem_size_0:
called_computation.1_lowered:
.L_overlay_start_0:
0x88: {  	s2 =	sld [smem:$0x3FD9]  }
0x89: {  	s3 =	sld [smem:$0x3FFE];
	_ =	sdelay $0x1  }
0x8a: {  	s1 =	srdreg.scid  }
0x8b: {  	s0 =	sand.u32 $0x1, s1  }
0x8c: {  	s14 =	sshll.u32 s0, $0xA;
	s2 =	sadd.s32 s3, s2  }
0x8d: {  	s2 =	sadd.s32 s2, s14  }
0x8e: {  	[smem:$0x3FC6] =	sst s2  }
0x8f: {  	_ = 	snop  }
0x90: {  	s2 =	sld [smem:$0x3FD0];
	_ =	sdelay $0x2  }
0x91: {  	s15 =	simm.s32 $0xA;
	s4 =	simm.s32 $0x10  }
0x92: {  	[smem:s4], [sflag:s15] =	dma.local [hbm:s2], $0x1  }
0x93: {  	_ =	swait.eq [sflag:s15], $0x1  }
0x94: {  	[sflag:s15] =	ssyncset.done $0x0  }
0x95: {  	[sflag:s15] =	ssyncadd.s32 $0xFFFFFFFF  }
0x96: {  	s16 =	sld [smem:$0x10];
	(tm) =	ssettm $0x1  }
0x97: {  	s17 =	sld [smem:$0x3FFB];
	_ =	sdelay $0x3  }
0x98: {  	_ =	strace s17  }
0x99: {  	s3 =	sld [smem:$0x3FFC];
	_ =	sdelay $0x3  }
0x9a: {  	_ =	strace s3  }
0x9b: {  	s3 =	sld [smem:$0x3FFD];
	_ =	sdelay $0x3  }
0x9c: {  	_ =	strace s3  }
0x9d: {  	_ =	strace $0x8FFFFFFF  }
0x9e: {  	s18 =	sld [smem:$0x3FDB];
	_ =	sdelay $0x1  }
0x9f: {  	s19 =	simm.s32 $_scs_section_size  }
0xa0: {  	s5 =	simm.s32 $_size__tile_overlayer_lowered;
	s6 =	simm.s32 $_tile_overlayer_lowered  }
0xa1: {  	s22 =	simm.s32 $0x1BFF;
	s21 =	sshll.u32 s6, $0x1;
	s3 =	sadd.s32 s19, s18  }
0xa2: {  	s7 =	simm.s32 $0x0;
	s20 =	sshll.u32 s5, $0x1;
	s5 =	sadd.s32 s21, s3  }
0xa3: {  	[timem:s7], [sflag:s22] =	dma.local [hbm:s5], s20  }
0xa4: {  	_ =	swait.ge [sflag:s22], s20  }
0xa5: {  	s4 =	ssub.s32 $0x0, s20;
	[sflag:s22] =	ssyncset.done $0x0  }
0xa6: {  	[sflag:s22] =	ssyncadd.s32 s4;
	_ =	sdelay $0x1  }
0xa7: {  	s23 =	simm.s32 $0x1B8B  }
0xa8: {  	_ =	swait.ge [sflag:s23], $0x1  }
0xa9: {  	[sflag:s23] =	ssyncset.done $0x0  }
0xaa: {  	s25 =	simm.s32 $0x1B8E;
	s24 =	sld [smem:$0x3FFE];
	[sflag:s23] =	ssyncadd.s32 $0xFFFFFFFF  }
0xab: {  	s26 =	simm.s32 $execute0_lowered;
	[smem:$0x3FD2] =	sst s25  }
0xac: {  	s5 =	sshll.u32 s26, $0x1;
	_ =	strace $0x80000049;
	[dreg:$0x1] =	wrdreg $0xFFFFFFFF  }
0xad: {  	s28 =	simm.s32 $_size_execute0_lowered;
	s3 =	sadd.s32 s3, s5;
	[dreg:$0x0] =	wrdreg $0x0  }
0xae: {  	s5 =	sshll.u32 s28, $0x1;
	[dreg:$0x2] =	wrdreg s3  }
0xaf: {  	[dreg:$0x3] =	wrdreg s5  }
0xb0: {  	[dreg:$0x4] =	wrdreg $0xC0  }
0xb1: {  	_ =	task [dreg:s7], $0x5FFFF  }
0xb2: {  	[dreg:$0x1] =	wrdreg $0xFFFFFFFF  }
0xb3: {  	[dreg:$0x0] =	wrdreg $0x60  }
0xb4: {  	[dreg:$0x2] =	wrdreg s24  }
0xb5: {  	[dreg:$0x3] =	wrdreg s16  }
0xb6: {  	[dreg:$0x4] =	wrdreg $0x9  }
0xb7: {  	_ =	task.clear_ibuf [dreg:s7], $0x5FFFF;
	_ =	strace $0x90000049  }
0xb8: {  	s29 =	simm.s32 $0x9;
	_ =	strace $0x8000004B  }
0xb9: {  	_ =	swait.ge [sflag:s29], $0x1  }
0xba: {  	[sflag:s29] =	ssyncadd.s32 $0xFFFFFFFF  }
0xbb: {  	_ =	strace $0x9000004B  }
0xbc: {  	_ =	sfence  }
0xbd: {  	s30 =	sld [smem:$0x0];
	_ =	sdelay $0x2  }
0xbe: {  	s31 =	sshll.u32 s1, $0xD;
	s1 =	sshrl.u32 s1, $0x2  }
0xbf: {  	s3 =	sand.u32 $0x4000, s31;
	s1 =	sadd.s32 s1, s30  }
0xc0: {  	s0 =	sor.u32 s3, s0;
	s1 =	sshll.u32 s1, $0x11  }
0xc1: {  	s0 =	sor.u32 s1, s0  }
0xc2: {  	s0 =	sadd.s32 $0x8F2B, s0  }
0xc3: {  	[sflag:s0] =	ssyncadd.remote.s32 $0x1  }
0xc4: {  	_ =	sfence.sel $0xFFFF  }
0xc5: {  	[dreg:$0x0] =	wrdreg $0xFFFFFFFF;
	(pc) =	sbr.abs _section_cstart, $3  }
0xc6: {  	[dreg:$0x1] =	wrdreg $0xFFFFFFFF  }
0xc7: {  	_ =	task.clear_ibuf [dreg:s7], $0x2FFFF;
	_ =	strace $0x9FFFFFFF  }
0xc8: {  	(tm) =	ssettm $0x7FFFFFFF  }
0xc9: {  	_ =	shalt  }
tec
execute0_lowered:
.L_overlay_start_1:
0x0: {  	(tag) =	ssettag $0x1  }
0x1: {  	s8 =	rddreg [dreg:$0x0];
	s1 =	srdreg.scid  }
0x2: {  	s0 =	stileid.u32;
	s3 =	rddreg [dreg:$0x1];
	s2 =	simm.s32 $0x0  }
0x3: {  	s6 =	sand.u32 $0x1, s1;
	s4 =	sshll.u32 s0, $0x1;
	s1 =	rddreg [dreg:$0x2]  }
0x4: {  	s7 =	simm.s32 $0x1;
	[smem:$0x7FF] =	sst s2;
	s9 =	sor.u32 s6, s4  }
0x5: {  	s5 =	sadd.s32 $0x3800, s8;
	_ =	strace $0x8000004A;
	s4 =	sshll.u32 s9, $0x4  }
0x6: {  	s10 =	ssub.s32 $0x2, s6;
	s4 =	sadd.s32 s3, s4;
	s3 =	simm.s32 $0x2  }
0x7: {  	[tilespmem:s2], [sflag:$0x2] =	stream.linear.gather [hbm4b:s4+s2], $0x80, $0x38;
	[tilespmem:$0x4080] =	vst v63  }
0x8: {  	s6 =	simm.s32 $0x80;
	s11 =	sshrl.u32 s10, $0x1;
	_ =	swait.ge [sflag:s3], $0x80  }
0x9: {  	s9 =	sshll.u32 s9, $0xB;
	s31 =	ssub.s32 s10, s11;
	[sflag:s3] =	ssyncset.done $0x0  }
0xa: {  	s8 =	sadd.s32 s9, s8;
	s9 =	smax.u32 s31, $0x1;
	[sflag:s3] =	ssyncadd.s32 $0xFFFFFF80  }
0xb: {  	[tilespmem:s6], [sflag:$0x1] =	stream.indirect.gather [hbm4b:s5+s6], $0x80, s2, s6, $0xb8;
	[tilespmem:$0x4080] =	vst v63  }
0xc: {  	p0 =	sne.s32 s9, $0x1;
	_ =	swait.ge [sflag:s7], $0x4000  }
.Ltmp0:
0xd: {  	[sflag:s7] =	ssyncset.done $0x0;
	(pc) =	sbr.rel @!p0 .LBB2_2-.Ltmp0, $4  }
0xe: {  	s8 =	sadd.s32 $0x43800, s8;
	[sflag:s7] =	ssyncadd.s32 $0xFFFFC000  }
0xf: {  	[hbm4b:s8+s2] =	stream.linear.scatter [tilespmem:s6], [sflag:$0x2], $0x4000, $0x38;
	[tilespmem:$0x4080] =	vst v63  }
0x10: {  	_ =	swait.ge [sflag:s3], $0x4000  }
0x11: {  	s9 =	sadd.s32 $0xFFFFFFFF, s9;
	[sflag:s3] =	ssyncset.done $0x0  }
.LBB2_1:
0x12: {  	p0 =	sne.s32 s9, $0x1;
	s9 =	sadd.s32 $0xFFFFFFFF, s9;
	[sflag:s3] =	ssyncadd.s32 $0xFFFFC000  }
0x13: {  	[tilespmem:s2], [sflag:$0x2] =	stream.linear.gather [hbm4b:s4+s2], $0x80, $0x38;
	[tilespmem:$0x4080] =	vst v63  }
0x14: {  	_ =	swait.ge [sflag:s3], $0x80  }
0x15: {  	[sflag:s3] =	ssyncset.done $0x0  }
0x16: {  	[sflag:s3] =	ssyncadd.s32 $0xFFFFFF80  }
0x17: {  	[tilespmem:s6], [sflag:$0x1] =	stream.indirect.gather [hbm4b:s5+s6], $0x80, s2, s6, $0xb8;
	[tilespmem:$0x4080] =	vst v63  }
0x18: {  	_ =	swait.ge [sflag:s7], $0x4000  }
.Ltmp1:
0x19: {  	[sflag:s7] =	ssyncset.done $0x0;
	(pc) =	sbr.rel @p0 .LBB2_1-.Ltmp1, $4  }
0x1a: {  	[sflag:s7] =	ssyncadd.s32 $0xFFFFC000  }
0x1b: {  	[hbm4b:s8+s2] =	stream.linear.scatter [tilespmem:s6], [sflag:$0x2], $0x4000, $0x38;
	[tilespmem:$0x4080] =	vst v63  }
0x1c: {  	_ =	swait.ge [sflag:s3], $0x4000  }
0x1d: {  	[sflag:s3] =	ssyncset.done $0x0  }
.LBB2_2:
0x1e: {  	[sflag:s3] =	ssyncadd.s32 $0xFFFFC000  }
0x1f: {  	_ =	sfence.sel $0x180000  }
0x20: {  	[bflag:$0x0] =	sbarrier.arrive $0xFFFF  }
0x21: {  	p0 =	sne.s32 s0, $0x0;
	_ =	strace $0x9000004A  }
0x22: {  	s0 =	sadd.s32 @!p0 $0x100000, s1;
	[bflag:$0x2] =	sbarrier.arrive $0xFFFF  }
0x23: {  	[sflag:s0] =	ssyncadd.tile.s32 @!p0 $0x1;
	_ =	shalt  }
.Lfunc_end2:
_tile_overlayer_lowered:
.L_overlay_start_2:
0x24: {  	(tag) =	ssettag $0x2  }
0x25: {  	s0 =	rddreg [dreg:$0x0];
	s2 =	stileid.u32  }
0x26: {  	s1 =	rddreg [dreg:$0x1];
	p0 =	sne.s32 s2, $0x0  }
0x27: {  	s3 =	rddreg [dreg:$0x2];
	[bflag:$0x3] =	sbarrier.arrive $0xFFFF;
	s2 =	simm.s32 @!p0 $0x1C02  }
0x28: {  	[timem:s3], [sflag:s2] =	dma.local @!p0 [hbm:s0], s1  }
0x29: {  	s0 =	simm.s32 @!p0 $0x2  }
0x2a: {  	_ =	swait.ge @!p0 [sflag:s0], s1  }
0x2b: {  	s1 =	ssub.s32 @!p0 $0x0, s1;
	[sflag:s0] =	ssyncset.done @!p0 $0x0  }
0x2c: {  	[sflag:s0] =	ssyncadd.s32 @!p0 s1  }
0x2d: {  	[bflag:$0x3] =	sbarrier.arrive $0xFFFF  }
0x2e: {  	_ =	shalt  }

// kernel: kernel.15.cloned.1.call-start
scs
__scs_entry_jumppad:
0x0: {  	(pc) =	sbr.rel $0x88, $3  }
0x1: {  	(tag) =	ssettag $0x0;
	lr =	simm.s32 $0x1  }
0x2: {  	[smem:$0x3F9F] =	sst lr;
	_ =	strace $0xD0000000  }
0x3: {  	_ = 	snop  }
0x4: {  	_ = 	snop  }
0x5: {  	_ = 	snop  }
0x6: {  	_ = 	snop  }
0x7: {  	_ = 	snop  }
__scs_overlays_trampoline_lowered:
0x8: {  	[smem:$0x3FAE] =	sst s0  }
0x9: {  	[smem:$0x3FAF] =	sst s1  }
0xa: {  	[smem:$0x3FB0] =	sst s2  }
0xb: {  	[smem:$0x3FB1] =	sst s3  }
0xc: {  	[smem:$0x3FB2] =	sst s4  }
0xd: {  	[smem:$0x3FB3] =	sst s5  }
0xe: {  	[smem:$0x3FB4] =	sst s6  }
0xf: {  	[smem:$0x3FB5] =	sst s7  }
0x10: {  	[smem:$0x3FB6] =	sst s8  }
0x11: {  	[smem:$0x3FB7] =	sst s9;
	s0 =	simm.s32 @!p0 $0x0  }
0x12: {  	s1 =	sld [smem:$0x3F9D];
	s0 =	simm.s32 @p0 $0x1  }
0x13: {  	[smem:$0x3FB8] =	sst s0;
	s0 =	simm.s32 @!p1 $0x0  }
0x14: {  	s2 =	sld [smem:$0x3F9C];
	s0 =	simm.s32 @p1 $0x1  }
0x15: {  	[smem:$0x3FB9] =	sst s0;
	s0 =	simm.s32 @!p2 $0x0  }
0x16: {  	s3 =	sld [smem:$0x3FDB];
	s0 =	simm.s32 @p2 $0x1  }
0x17: {  	s4 =	simm.s32 $0x1BF5;
	[smem:$0x3FBB] =	sst s0  }
0x18: {  	s0 =	sld [smem:$0x3F9E];
	_ =	swait.ge [sflag:s4], $0x0  }
0x19: {  	s7 =	sld [smem:$0x3F9F]  }
0x1a: {  	s8 =	sadd.s32 $0xFFFFE003, lr  }
0x1b: {  	s9 =	sadd.s32 $0xFFFFFEF7, lr;
	s5 =	simm.s32 $0xFFFFFFFF;
	p2 =	slt.u32 s8, $0xFFFFF086  }
0x1c: {  	p1 =	slt.u32 s9, $0xF7A;
	s5 =	simm.s32 @!p2 $0x0  }
0x1d: {  	s5 =	simm.s32 @p1 $0x1;
	p0 =	seq.s32 s7, s2  }
0x1e: {  	s7 =	smul.u32 @!p0 $0xF7A, s2;
	p2 =	seq.s32 @!p0 s5, $0x0  }
0x1f: {  	s9 =	smul.u32 $0xF7A, s1;
	s8 =	simm.s32 @!p0 $0x1BF5;
	p2 =	por !p2, p0  }
0x20: {  	[sflag:s8] =	ssyncset.s32 @!p0 $0xFFFFF086;
	s6 =	sadd.s32 @!p0 s3, s7;
	s7 =	simm.s32 @!p0 $0x108  }
0x21: {  	s3 =	sadd.s32 s3, s9;
	s6 =	sadd.s32 @!p0 $0x88, s6;
	s7 =	simm.s32 @p2 $0x1082  }
0x22: {  	[simem:s7], [sflag:s8] =	dma.local @!p0 [hbm:s6], $0xF7A  }
0x23: {  	s9 =	sor.u32 $0xD0000000, s2;
	s6 =	simm.s32 $0x108;
	_ =	swait.ge @!p0 [sflag:s8], $0x0  }
0x24: {  	s3 =	sadd.s32 $0x88, s3;
	s6 =	simm.s32 @!p1 $0x1082;
	[sflag:s4] =	ssyncset.s32 $0xFFFFF086  }
0x25: {  	[simem:s6], [sflag:s4] =	dma.local [hbm:s3], $0xF7A  }
0x26: {  	[smem:$0x3F9F] =	sst s1;
	(tag) =	ssettag s2;
	_ =	strace s9  }
0x27: {  	s1 =	sld [smem:$0x3FAF]  }
0x28: {  	s2 =	sld [smem:$0x3FB0]  }
0x29: {  	s4 =	sld [smem:$0x3FB2]  }
0x2a: {  	p0 =	seq.s32 s5, $0x0;
	s5 =	sld [smem:$0x3FB3]  }
0x2b: {  	s6 =	sld [smem:$0x3FB4]  }
0x2c: {  	s7 =	sld [smem:$0x3FB5]  }
0x2d: {  	s3 =	simm.s32 $0x108;
	s8 =	sld [smem:$0x3FB6]  }
0x2e: {  	s3 =	simm.s32 @!p0 $0x1082;
	s9 =	sld [smem:$0x3FB7]  }
0x2f: {  	lr =	sadd.s32 s0, s3;
	s0 =	sld [smem:$0x3FAE]  }
0x30: {  	s3 =	sld [smem:$0x3FB1]  }
0x31: {  	[smem:$0x3FBA] =	sst s10  }
0x32: {  	s10 =	sld [smem:$0x3FB8];
	_ =	sdelay $0x3  }
0x33: {  	p0 =	seq.s32 s10, $0x1;
	s10 =	sld [smem:$0x3FBA];
	_ =	sdelay $0x3  }
0x34: {  	[smem:$0x3FBA] =	sst s10  }
0x35: {  	s10 =	sld [smem:$0x3FB9];
	_ =	sdelay $0x3  }
0x36: {  	p1 =	seq.s32 s10, $0x1;
	s10 =	sld [smem:$0x3FBA];
	_ =	sdelay $0x3  }
0x37: {  	[smem:$0x3FBA] =	sst s10  }
0x38: {  	s10 =	sld [smem:$0x3FBB]  }
0x39: {  	_ = 	snop;
	(pc) =	sbr.ind lr, $3  }
0x3a: {  	_ = 	snop  }
0x3b: {  	_ = 	snop  }
0x3c: {  	p2 =	seq.s32 s10, $0x1;
	s10 =	sld [smem:$0x3FBA]  }
0x3d: {  	_ =	shalt  }
0x3e: {  	_ =	shalt  }
0x3f: {  	_ =	shalt  }
0x40: {  	_ =	shalt  }
0x41: {  	_ =	shalt  }
0x42: {  	_ =	shalt  }
0x43: {  	_ =	shalt  }
0x44: {  	_ =	shalt  }
0x45: {  	_ =	shalt  }
0x46: {  	_ =	shalt  }
0x47: {  	_ =	shalt  }
0x48: {  	_ =	shalt  }
0x49: {  	_ =	shalt  }
0x4a: {  	_ =	shalt  }
0x4b: {  	_ =	shalt  }
0x4c: {  	_ =	shalt  }
0x4d: {  	_ =	shalt  }
0x4e: {  	_ =	shalt  }
0x4f: {  	_ =	shalt  }
0x50: {  	_ =	shalt  }
0x51: {  	_ =	shalt  }
0x52: {  	_ =	shalt  }
0x53: {  	_ =	shalt  }
0x54: {  	_ =	shalt  }
0x55: {  	_ =	shalt  }
0x56: {  	_ =	shalt  }
0x57: {  	_ =	shalt  }
0x58: {  	_ =	shalt  }
0x59: {  	_ =	shalt  }
0x5a: {  	_ =	shalt  }
0x5b: {  	_ =	shalt  }
0x5c: {  	_ =	shalt  }
0x5d: {  	_ =	shalt  }
0x5e: {  	_ =	shalt  }
0x5f: {  	_ =	shalt  }
0x60: {  	_ =	shalt  }
0x61: {  	_ =	shalt  }
0x62: {  	_ =	shalt  }
0x63: {  	_ =	shalt  }
0x64: {  	_ =	shalt  }
0x65: {  	_ =	shalt  }
0x66: {  	_ =	shalt  }
0x67: {  	_ =	shalt  }
0x68: {  	_ =	shalt  }
0x69: {  	_ =	shalt  }
0x6a: {  	_ =	shalt  }
0x6b: {  	_ =	shalt  }
0x6c: {  	_ =	shalt  }
0x6d: {  	_ =	shalt  }
0x6e: {  	_ =	shalt  }
0x6f: {  	_ =	shalt  }
0x70: {  	_ =	shalt  }
0x71: {  	_ =	shalt  }
0x72: {  	_ =	shalt  }
0x73: {  	_ =	shalt  }
0x74: {  	_ =	shalt  }
0x75: {  	_ =	shalt  }
0x76: {  	_ =	shalt  }
0x77: {  	_ =	shalt  }
0x78: {  	_ =	shalt  }
0x79: {  	_ =	shalt  }
0x7a: {  	_ =	shalt  }
0x7b: {  	_ =	shalt  }
0x7c: {  	_ =	shalt  }
0x7d: {  	_ =	shalt  }
0x7e: {  	_ =	shalt  }
0x7f: {  	_ =	shalt  }
0x80: {  	_ =	shalt  }
0x81: {  	_ =	shalt  }
0x82: {  	_ =	shalt  }
0x83: {  	_ =	shalt  }
0x84: {  	_ =	shalt  }
0x85: {  	_ =	shalt  }
0x86: {  	_ =	shalt  }
0x87: {  	_ =	shalt  }
.Lfunc_end0:
.L_simem_size_0:
called_computation.2_lowered:
.L_overlay_start_0:
0x88: {  	s2 =	sld [smem:$0x3FD9]  }
0x89: {  	s3 =	sld [smem:$0x3FFE];
	_ =	sdelay $0x1  }
0x8a: {  	s1 =	srdreg.scid  }
0x8b: {  	s0 =	sand.u32 $0x1, s1  }
0x8c: {  	s14 =	sshll.u32 s0, $0xA;
	s2 =	sadd.s32 s3, s2  }
0x8d: {  	s2 =	sadd.s32 s2, s14  }
0x8e: {  	[smem:$0x3FC6] =	sst s2  }
0x8f: {  	_ = 	snop  }
0x90: {  	s2 =	sld [smem:$0x3FD0];
	_ =	sdelay $0x2  }
0x91: {  	s15 =	simm.s32 $0xA;
	s4 =	simm.s32 $0x10  }
0x92: {  	[smem:s4], [sflag:s15] =	dma.local [hbm:s2], $0x1  }
0x93: {  	_ =	swait.eq [sflag:s15], $0x1  }
0x94: {  	[sflag:s15] =	ssyncset.done $0x0  }
0x95: {  	s16 =	sld [smem:$0x10];
	[sflag:s15] =	ssyncadd.s32 $0xFFFFFFFF  }
0x96: {  	s17 =	sld [smem:$0x11];
	(tm) =	ssettm $0x1  }
0x97: {  	s18 =	sld [smem:$0x3FFB];
	_ =	sdelay $0x3  }
0x98: {  	_ =	strace s18  }
0x99: {  	s4 =	sld [smem:$0x3FFC];
	_ =	sdelay $0x3  }
0x9a: {  	_ =	strace s4  }
0x9b: {  	s4 =	sld [smem:$0x3FFD];
	_ =	sdelay $0x3  }
0x9c: {  	_ =	strace s4  }
0x9d: {  	_ =	strace $0x8FFFFFFF  }
0x9e: {  	s19 =	sld [smem:$0x3FDB];
	_ =	sdelay $0x1  }
0x9f: {  	s5 =	simm.s32 $_scs_section_size  }
0xa0: {  	s6 =	simm.s32 $_size__tile_overlayer_lowered;
	s7 =	simm.s32 $_tile_overlayer_lowered  }
0xa1: {  	s22 =	simm.s32 $0x1BFF;
	s21 =	sshll.u32 s7, $0x1;
	s4 =	sadd.s32 s5, s19  }
0xa2: {  	s8 =	simm.s32 $0x0;
	s20 =	sshll.u32 s6, $0x1;
	s6 =	sadd.s32 s21, s4  }
0xa3: {  	[timem:s8], [sflag:s22] =	dma.local [hbm:s6], s20  }
0xa4: {  	_ =	swait.ge [sflag:s22], s20  }
0xa5: {  	s5 =	ssub.s32 $0x0, s20;
	[sflag:s22] =	ssyncset.done $0x0  }
0xa6: {  	[sflag:s22] =	ssyncadd.s32 s5;
	_ =	sdelay $0x1  }
0xa7: {  	s23 =	simm.s32 $0x1B8B  }
0xa8: {  	_ =	swait.ge [sflag:s23], $0x1  }
0xa9: {  	[sflag:s23] =	ssyncset.done $0x0  }
0xaa: {  	s25 =	simm.s32 $0x1B8E;
	s24 =	sld [smem:$0x3FFE];
	[sflag:s23] =	ssyncadd.s32 $0xFFFFFFFF  }
0xab: {  	s26 =	simm.s32 $execute0_lowered;
	[smem:$0x3FD2] =	sst s25  }
0xac: {  	s6 =	sshll.u32 s26, $0x1;
	_ =	strace $0x8000004C;
	[dreg:$0x1] =	wrdreg $0xFFFFFFFF  }
0xad: {  	s28 =	simm.s32 $_size_execute0_lowered;
	s4 =	sadd.s32 s4, s6;
	[dreg:$0x0] =	wrdreg $0x0  }
0xae: {  	s6 =	sshll.u32 s28, $0x1;
	[dreg:$0x2] =	wrdreg s4  }
0xaf: {  	[dreg:$0x3] =	wrdreg s6  }
0xb0: {  	[dreg:$0x4] =	wrdreg $0xC0  }
0xb1: {  	_ =	task [dreg:s8], $0x5FFFF  }
0xb2: {  	[dreg:$0x1] =	wrdreg $0xFFFFFFFF  }
0xb3: {  	[dreg:$0x0] =	wrdreg $0x60  }
0xb4: {  	[dreg:$0x2] =	wrdreg s24  }
0xb5: {  	[dreg:$0x3] =	wrdreg s16  }
0xb6: {  	[dreg:$0x4] =	wrdreg s17  }
0xb7: {  	[dreg:$0x5] =	wrdreg $0x42800  }
0xb8: {  	[dreg:$0x6] =	wrdreg $0x9  }
0xb9: {  	_ =	task.clear_ibuf [dreg:s8], $0x7FFFF;
	_ =	strace $0x9000004C  }
0xba: {  	s29 =	simm.s32 $0x9;
	_ =	strace $0x8000004E  }
0xbb: {  	_ =	swait.ge [sflag:s29], $0x1  }
0xbc: {  	[sflag:s29] =	ssyncadd.s32 $0xFFFFFFFF  }
0xbd: {  	_ =	strace $0x9000004E  }
0xbe: {  	_ =	sfence  }
0xbf: {  	s30 =	sld [smem:$0x0];
	_ =	sdelay $0x2  }
0xc0: {  	s31 =	sshll.u32 s1, $0xD;
	s1 =	sshrl.u32 s1, $0x2  }
0xc1: {  	s3 =	sand.u32 $0x4000, s31;
	s1 =	sadd.s32 s1, s30  }
0xc2: {  	s0 =	sor.u32 s3, s0;
	s1 =	sshll.u32 s1, $0x11  }
0xc3: {  	s0 =	sor.u32 s1, s0  }
0xc4: {  	s0 =	sadd.s32 $0x8F2B, s0  }
0xc5: {  	[sflag:s0] =	ssyncadd.remote.s32 $0x1  }
0xc6: {  	_ =	sfence.sel $0xFFFF  }
0xc7: {  	[dreg:$0x0] =	wrdreg $0xFFFFFFFF;
	(pc) =	sbr.abs _section_cstart, $3  }
0xc8: {  	[dreg:$0x1] =	wrdreg $0xFFFFFFFF  }
0xc9: {  	_ =	task.clear_ibuf [dreg:s8], $0x2FFFF;
	_ =	strace $0x9FFFFFFF  }
0xca: {  	(tm) =	ssettm $0x7FFFFFFF  }
0xcb: {  	_ =	shalt  }
tec
execute0_lowered:
.L_overlay_start_1:
0x0: {  	(tag) =	ssettag $0x1  }
0x1: {  	s8 =	rddreg [dreg:$0x0]  }
0x2: {  	s10 =	rddreg [dreg:$0x1]  }
0x3: {  	s19 =	rddreg [dreg:$0x2]  }
0x4: {  	s1 =	srdreg.scid;
	s0 =	stileid.u32  }
0x5: {  	s2 =	rddreg [dreg:$0x3];
	s16 =	sand.u32 $0x1, s1;
	s4 =	sshll.u32 s0, $0x1  }
0x6: {  	s3 =	simm.s32 $0x0;
	s5 =	simm.s32 $0x2;
	s6 =	sor.u32 s16, s4  }
0x7: {  	[smem:$0x7FF] =	sst s3;
	s14 =	sadd.s32 $0x2000, s8;
	s4 =	sshll.u32 s6, $0x4  }
0x8: {  	s1 =	rddreg [dreg:$0x4];
	_ =	strace $0x8000004D;
	s4 =	sadd.s32 s14, s4  }
0x9: {  	[tilespmem:s3], [sflag:$0x2] =	stream.linear.gather [hbm4b:s4+s3], $0x80, $0x38;
	[tilespmem:$0x4380] =	vst v63  }
0xa: {  	s6 =	sshll.u32 s6, $0xB;
	_ =	swait.ge [sflag:s5], $0x80  }
0xb: {  	s6 =	sadd.s32 s6, s8;
	[sflag:s5] =	ssyncset.done $0x0  }
0xc: {  	s7 =	simm.s32 $0x80;
	s6 =	sadd.s32 $0x43800, s6;
	[sflag:s5] =	ssyncadd.s32 $0xFFFFFF80  }
0xd: {  	[tilespmem:s7], [sflag:$0x2] =	stream.linear.gather [hbm4b:s6+s3], $0x4000, $0x38;
	[tilespmem:$0x4380] =	vst v63  }
0xe: {  	_ =	swait.ge [sflag:s5], $0x4000  }
0xf: {  	[sflag:s5] =	ssyncset.done $0x0  }
0x10: {  	s9 =	simm.s32 $0x1;
	s8 =	sadd.s32 $0x2200, s8;
	[sflag:s5] =	ssyncadd.s32 $0xFFFFC000  }
0x11: {  	[hbm4b:s8+s7] =	stream.indirect.scatter [tilespmem:s7], [sflag:$0x1], $0x80, s3, s7, $0xb8;
	[tilespmem:$0x4380] =	vst v63  }
0x12: {  	s20 =	sshll.u32 s0, $0x5;
	p0 =	sne.s32 s16, $0x0;
	_ =	swait.ge [sflag:s9], $0x4000  }
0x13: {  	s11 =	sadd.s32 s10, s20;
	s10 =	simm.s32 @!p0 $0x2;
	[sflag:s9] =	ssyncset.done $0x0  }
0x14: {  	s12 =	simm.s32 @!p0 $0x0;
	s13 =	simm.s32 @!p0 $0x4080;
	[sflag:s9] =	ssyncadd.s32 $0xFFFFC000  }
0x15: {  	[tilespmem:s13], [sflag:$0x2] =	stream.linear.gather @!p0 [hbm4b:s11+s12], $0x100, $0x38;
	[tilespmem:$0x4380] =	vst v63  }
0x16: {  	_ =	swait.ge @!p0 [sflag:s10], $0x100  }
0x17: {  	[sflag:s10] =	ssyncset.done @!p0 $0x0  }
0x18: {  	s15 =	simm.s32 @!p0 $0x4180;
	s14 =	sadd.s32 s14, s20;
	[sflag:s10] =	ssyncadd.s32 @!p0 $0xFFFFFF00  }
0x19: {  	[tilespmem:s15], [sflag:$0x2] =	stream.linear.gather @!p0 [hbm4b:s14+s12], $0x100, $0x38;
	[tilespmem:$0x4380] =	vst v63  }
0x1a: {  	_ =	swait.ge @!p0 [sflag:s10], $0x100  }
0x1b: {  	s31 =	sshll.u32 s0, $0x8;
	[sflag:s10] =	ssyncset.done @!p0 $0x0  }
0x1c: {  	s17 =	ssub.s32 $0x2, s16;
	s16 =	simm.s32 @!p0 $0x80;
	[sflag:s10] =	ssyncadd.s32 @!p0 $0xFFFFFF00  }
0x1d: {  	[spmem:s2] =	stream.indirect.scatter @!p0 [tilespmem:s13], [sflag:$0x2], $0x1, s15, s16, $0xb8;
	[tilespmem:$0x4380] =	vst v63  }
0x1e: {  	s22 =	sadd.s32 s31, s2;
	s18 =	sshrl.u32 s17, $0x1;
	_ =	swait.ge @!p0 [sflag:s10], $0x80  }
0x1f: {  	s21 =	ssub.s32 s17, s18;
	s17 =	simm.s32 @!p0 $0x4200;
	[sflag:s10] =	ssyncset.done @!p0 $0x0  }
0x20: {  	s18 =	simm.s32 @!p0 $0x4100;
	s23 =	smax.u32 s21, $0x1;
	[sflag:s10] =	ssyncadd.s32 @!p0 $0xFFFFFF80  }
0x21: {  	[spmem:s2] =	stream.indirect.scatter @!p0 [tilespmem:s18], [sflag:$0x2], $0x1, s17, s16, $0xb8;
	[tilespmem:$0x4380] =	vst v63  }
0x22: {  	s21 =	sshrl.u32 @!p0 s22, $0x3;
	s22 =	sadd.s32 $0xFFFFFFFF, s23;
	_ =	swait.ge @!p0 [sflag:s10], $0x80  }
0x23: {  	s19 =	sadd.s32 s19, s20;
	p1 =	sne.s32 s22, $0x0;
	[sflag:s10] =	ssyncset.done @!p0 $0x0  }
.Ltmp0:
0x24: {  	s20 =	sshll.u32 @!p0 s0, $0x6;
	[sflag:s10] =	ssyncadd.s32 @!p0 $0xFFFFFF80;
	(pc) =	sbr.rel @!p1 .LBB2_2-.Ltmp0, $4  }
0x25: {  	s20 =	sor.u32 @!p0 $0x1C02, s20;
	[bflag:$0x0] =	sbarrier.arrive @!p0 $0xFFFF  }
0x26: {  	[hbm:s19], [sflag:s20] =	dma.local @!p0 [spmem:s21], $0x20  }
0x27: {  	_ =	swait.ge @!p0 [sflag:s10], $0x20  }
0x28: {  	[sflag:s10] =	ssyncset.done @!p0 $0x0  }
.LBB2_1:
0x29: {  	s22 =	sadd.s32 $0xFFFFFFFF, s22;
	[sflag:s10] =	ssyncadd.s32 @!p0 $0xFFFFFFE0  }
0x2a: {  	[tilespmem:s3], [sflag:$0x2] =	stream.linear.gather [hbm4b:s4+s3], $0x80, $0x38;
	[tilespmem:$0x4380] =	vst v63  }
0x2b: {  	p1 =	sne.s32 s22, $0x0;
	_ =	swait.ge [sflag:s5], $0x80  }
0x2c: {  	[sflag:s5] =	ssyncset.done $0x0  }
0x2d: {  	[sflag:s5] =	ssyncadd.s32 $0xFFFFFF80  }
0x2e: {  	[tilespmem:s7], [sflag:$0x2] =	stream.linear.gather [hbm4b:s6+s3], $0x4000, $0x38;
	[tilespmem:$0x4380] =	vst v63  }
0x2f: {  	_ =	swait.ge [sflag:s5], $0x4000  }
0x30: {  	[sflag:s5] =	ssyncset.done $0x0  }
0x31: {  	[sflag:s5] =	ssyncadd.s32 $0xFFFFC000  }
0x32: {  	[hbm4b:s8+s7] =	stream.indirect.scatter [tilespmem:s7], [sflag:$0x1], $0x80, s3, s7, $0xb8;
	[tilespmem:$0x4380] =	vst v63  }
0x33: {  	_ =	swait.ge [sflag:s9], $0x4000  }
0x34: {  	[sflag:s9] =	ssyncset.done $0x0  }
0x35: {  	[sflag:s9] =	ssyncadd.s32 $0xFFFFC000  }
0x36: {  	[tilespmem:s13], [sflag:$0x2] =	stream.linear.gather @!p0 [hbm4b:s11+s12], $0x100, $0x38;
	[tilespmem:$0x4380] =	vst v63  }
0x37: {  	_ =	swait.ge @!p0 [sflag:s10], $0x100  }
0x38: {  	[sflag:s10] =	ssyncset.done @!p0 $0x0  }
0x39: {  	[sflag:s10] =	ssyncadd.s32 @!p0 $0xFFFFFF00  }
0x3a: {  	[tilespmem:s15], [sflag:$0x2] =	stream.linear.gather @!p0 [hbm4b:s14+s12], $0x100, $0x38;
	[tilespmem:$0x4380] =	vst v63  }
0x3b: {  	_ =	swait.ge @!p0 [sflag:s10], $0x100  }
0x3c: {  	[sflag:s10] =	ssyncset.done @!p0 $0x0  }
0x3d: {  	[sflag:s10] =	ssyncadd.s32 @!p0 $0xFFFFFF00  }
0x3e: {  	[spmem:s2] =	stream.indirect.scatter @!p0 [tilespmem:s13], [sflag:$0x2], $0x1, s15, s16, $0xb8;
	[tilespmem:$0x4380] =	vst v63  }
0x3f: {  	_ =	swait.ge @!p0 [sflag:s10], $0x80  }
0x40: {  	[sflag:s10] =	ssyncset.done @!p0 $0x0  }
0x41: {  	[sflag:s10] =	ssyncadd.s32 @!p0 $0xFFFFFF80  }
0x42: {  	[spmem:s2] =	stream.indirect.scatter @!p0 [tilespmem:s18], [sflag:$0x2], $0x1, s17, s16, $0xb8;
	[tilespmem:$0x4380] =	vst v63  }
0x43: {  	_ =	swait.ge @!p0 [sflag:s10], $0x80  }
0x44: {  	[sflag:s10] =	ssyncset.done @!p0 $0x0  }
.Ltmp1:
0x45: {  	[sflag:s10] =	ssyncadd.s32 @!p0 $0xFFFFFF80;
	(pc) =	sbr.rel @p1 .LBB2_1-.Ltmp1, $4  }
0x46: {  	[bflag:$0x0] =	sbarrier.arrive @!p0 $0xFFFF  }
0x47: {  	[hbm:s19], [sflag:s20] =	dma.local @!p0 [spmem:s21], $0x20  }
0x48: {  	_ =	swait.ge @!p0 [sflag:s10], $0x20  }
0x49: {  	[sflag:s10] =	ssyncset.done @!p0 $0x0  }
.LBB2_2:
0x4a: {  	[sflag:s10] =	ssyncadd.s32 @!p0 $0xFFFFFFE0  }
0x4b: {  	_ =	sfence.sel $0x180000  }
0x4c: {  	[bflag:$0x0] =	sbarrier.arrive $0xFFFF  }
0x4d: {  	p0 =	sne.s32 s0, $0x0;
	_ =	strace $0x9000004D  }
0x4e: {  	s0 =	sadd.s32 @!p0 $0x100000, s1;
	[bflag:$0x2] =	sbarrier.arrive $0xFFFF  }
0x4f: {  	[sflag:s0] =	ssyncadd.tile.s32 @!p0 $0x1;
	_ =	shalt  }
.Lfunc_end2:
_tile_overlayer_lowered:
.L_overlay_start_2:
0x50: {  	(tag) =	ssettag $0x2  }
0x51: {  	s0 =	rddreg [dreg:$0x0];
	s2 =	stileid.u32  }
0x52: {  	s1 =	rddreg [dreg:$0x1];
	p0 =	sne.s32 s2, $0x0  }
0x53: {  	s3 =	rddreg [dreg:$0x2];
	[bflag:$0x3] =	sbarrier.arrive $0xFFFF;
	s2 =	simm.s32 @!p0 $0x1C02  }
0x54: {  	[timem:s3], [sflag:s2] =	dma.local @!p0 [hbm:s0], s1  }
0x55: {  	s0 =	simm.s32 @!p0 $0x2  }
0x56: {  	_ =	swait.ge @!p0 [sflag:s0], s1  }
0x57: {  	s1 =	ssub.s32 @!p0 $0x0, s1;
	[sflag:s0] =	ssyncset.done @!p0 $0x0  }
0x58: {  	[sflag:s0] =	ssyncadd.s32 @!p0 s1  }
0x59: {  	[bflag:$0x3] =	sbarrier.arrive $0xFFFF  }
0x5a: {  	_ =	shalt  }

// kernel: kernel.9.cloned.1.call-start
scs
__scs_entry_jumppad:
0x0: {  	(pc) =	sbr.rel $0x88, $3  }
0x1: {  	(tag) =	ssettag $0x0;
	lr =	simm.s32 $0x1  }
0x2: {  	[smem:$0x3F9F] =	sst lr;
	_ =	strace $0xD0000000  }
0x3: {  	_ = 	snop  }
0x4: {  	_ = 	snop  }
0x5: {  	_ = 	snop  }
0x6: {  	_ = 	snop  }
0x7: {  	_ = 	snop  }
__scs_overlays_trampoline_lowered:
0x8: {  	[smem:$0x3FAE] =	sst s0  }
0x9: {  	[smem:$0x3FAF] =	sst s1  }
0xa: {  	[smem:$0x3FB0] =	sst s2  }
0xb: {  	[smem:$0x3FB1] =	sst s3  }
0xc: {  	[smem:$0x3FB2] =	sst s4  }
0xd: {  	[smem:$0x3FB3] =	sst s5  }
0xe: {  	[smem:$0x3FB4] =	sst s6  }
0xf: {  	[smem:$0x3FB5] =	sst s7  }
0x10: {  	[smem:$0x3FB6] =	sst s8  }
0x11: {  	[smem:$0x3FB7] =	sst s9;
	s0 =	simm.s32 @!p0 $0x0  }
0x12: {  	s1 =	sld [smem:$0x3F9D];
	s0 =	simm.s32 @p0 $0x1  }
0x13: {  	[smem:$0x3FB8] =	sst s0;
	s0 =	simm.s32 @!p1 $0x0  }
0x14: {  	s2 =	sld [smem:$0x3F9C];
	s0 =	simm.s32 @p1 $0x1  }
0x15: {  	[smem:$0x3FB9] =	sst s0;
	s0 =	simm.s32 @!p2 $0x0  }
0x16: {  	s3 =	sld [smem:$0x3FDB];
	s0 =	simm.s32 @p2 $0x1  }
0x17: {  	s4 =	simm.s32 $0x1BF5;
	[smem:$0x3FBB] =	sst s0  }
0x18: {  	s0 =	sld [smem:$0x3F9E];
	_ =	swait.ge [sflag:s4], $0x0  }
0x19: {  	s7 =	sld [smem:$0x3F9F]  }
0x1a: {  	s8 =	sadd.s32 $0xFFFFE003, lr  }
0x1b: {  	s9 =	sadd.s32 $0xFFFFFEF7, lr;
	s5 =	simm.s32 $0xFFFFFFFF;
	p2 =	slt.u32 s8, $0xFFFFF086  }
0x1c: {  	p1 =	slt.u32 s9, $0xF7A;
	s5 =	simm.s32 @!p2 $0x0  }
0x1d: {  	s5 =	simm.s32 @p1 $0x1;
	p0 =	seq.s32 s7, s2  }
0x1e: {  	s7 =	smul.u32 @!p0 $0xF7A, s2;
	p2 =	seq.s32 @!p0 s5, $0x0  }
0x1f: {  	s9 =	smul.u32 $0xF7A, s1;
	s8 =	simm.s32 @!p0 $0x1BF5;
	p2 =	por !p2, p0  }
0x20: {  	[sflag:s8] =	ssyncset.s32 @!p0 $0xFFFFF086;
	s6 =	sadd.s32 @!p0 s3, s7;
	s7 =	simm.s32 @!p0 $0x108  }
0x21: {  	s3 =	sadd.s32 s3, s9;
	s6 =	sadd.s32 @!p0 $0x88, s6;
	s7 =	simm.s32 @p2 $0x1082  }
0x22: {  	[simem:s7], [sflag:s8] =	dma.local @!p0 [hbm:s6], $0xF7A  }
0x23: {  	s9 =	sor.u32 $0xD0000000, s2;
	s6 =	simm.s32 $0x108;
	_ =	swait.ge @!p0 [sflag:s8], $0x0  }
0x24: {  	s3 =	sadd.s32 $0x88, s3;
	s6 =	simm.s32 @!p1 $0x1082;
	[sflag:s4] =	ssyncset.s32 $0xFFFFF086  }
0x25: {  	[simem:s6], [sflag:s4] =	dma.local [hbm:s3], $0xF7A  }
0x26: {  	[smem:$0x3F9F] =	sst s1;
	(tag) =	ssettag s2;
	_ =	strace s9  }
0x27: {  	s1 =	sld [smem:$0x3FAF]  }
0x28: {  	s2 =	sld [smem:$0x3FB0]  }
0x29: {  	s4 =	sld [smem:$0x3FB2]  }
0x2a: {  	p0 =	seq.s32 s5, $0x0;
	s5 =	sld [smem:$0x3FB3]  }
0x2b: {  	s6 =	sld [smem:$0x3FB4]  }
0x2c: {  	s7 =	sld [smem:$0x3FB5]  }
0x2d: {  	s3 =	simm.s32 $0x108;
	s8 =	sld [smem:$0x3FB6]  }
0x2e: {  	s3 =	simm.s32 @!p0 $0x1082;
	s9 =	sld [smem:$0x3FB7]  }
0x2f: {  	lr =	sadd.s32 s0, s3;
	s0 =	sld [smem:$0x3FAE]  }
0x30: {  	s3 =	sld [smem:$0x3FB1]  }
0x31: {  	[smem:$0x3FBA] =	sst s10  }
0x32: {  	s10 =	sld [smem:$0x3FB8];
	_ =	sdelay $0x3  }
0x33: {  	p0 =	seq.s32 s10, $0x1;
	s10 =	sld [smem:$0x3FBA];
	_ =	sdelay $0x3  }
0x34: {  	[smem:$0x3FBA] =	sst s10  }
0x35: {  	s10 =	sld [smem:$0x3FB9];
	_ =	sdelay $0x3  }
0x36: {  	p1 =	seq.s32 s10, $0x1;
	s10 =	sld [smem:$0x3FBA];
	_ =	sdelay $0x3  }
0x37: {  	[smem:$0x3FBA] =	sst s10  }
0x38: {  	s10 =	sld [smem:$0x3FBB]  }
0x39: {  	_ = 	snop;
	(pc) =	sbr.ind lr, $3  }
0x3a: {  	_ = 	snop  }
0x3b: {  	_ = 	snop  }
0x3c: {  	p2 =	seq.s32 s10, $0x1;
	s10 =	sld [smem:$0x3FBA]  }
0x3d: {  	_ =	shalt  }
0x3e: {  	_ =	shalt  }
0x3f: {  	_ =	shalt  }
0x40: {  	_ =	shalt  }
0x41: {  	_ =	shalt  }
0x42: {  	_ =	shalt  }
0x43: {  	_ =	shalt  }
0x44: {  	_ =	shalt  }
0x45: {  	_ =	shalt  }
0x46: {  	_ =	shalt  }
0x47: {  	_ =	shalt  }
0x48: {  	_ =	shalt  }
0x49: {  	_ =	shalt  }
0x4a: {  	_ =	shalt  }
0x4b: {  	_ =	shalt  }
0x4c: {  	_ =	shalt  }
0x4d: {  	_ =	shalt  }
0x4e: {  	_ =	shalt  }
0x4f: {  	_ =	shalt  }
0x50: {  	_ =	shalt  }
0x51: {  	_ =	shalt  }
0x52: {  	_ =	shalt  }
0x53: {  	_ =	shalt  }
0x54: {  	_ =	shalt  }
0x55: {  	_ =	shalt  }
0x56: {  	_ =	shalt  }
0x57: {  	_ =	shalt  }
0x58: {  	_ =	shalt  }
0x59: {  	_ =	shalt  }
0x5a: {  	_ =	shalt  }
0x5b: {  	_ =	shalt  }
0x5c: {  	_ =	shalt  }
0x5d: {  	_ =	shalt  }
0x5e: {  	_ =	shalt  }
0x5f: {  	_ =	shalt  }
0x60: {  	_ =	shalt  }
0x61: {  	_ =	shalt  }
0x62: {  	_ =	shalt  }
0x63: {  	_ =	shalt  }
0x64: {  	_ =	shalt  }
0x65: {  	_ =	shalt  }
0x66: {  	_ =	shalt  }
0x67: {  	_ =	shalt  }
0x68: {  	_ =	shalt  }
0x69: {  	_ =	shalt  }
0x6a: {  	_ =	shalt  }
0x6b: {  	_ =	shalt  }
0x6c: {  	_ =	shalt  }
0x6d: {  	_ =	shalt  }
0x6e: {  	_ =	shalt  }
0x6f: {  	_ =	shalt  }
0x70: {  	_ =	shalt  }
0x71: {  	_ =	shalt  }
0x72: {  	_ =	shalt  }
0x73: {  	_ =	shalt  }
0x74: {  	_ =	shalt  }
0x75: {  	_ =	shalt  }
0x76: {  	_ =	shalt  }
0x77: {  	_ =	shalt  }
0x78: {  	_ =	shalt  }
0x79: {  	_ =	shalt  }
0x7a: {  	_ =	shalt  }
0x7b: {  	_ =	shalt  }
0x7c: {  	_ =	shalt  }
0x7d: {  	_ =	shalt  }
0x7e: {  	_ =	shalt  }
0x7f: {  	_ =	shalt  }
0x80: {  	_ =	shalt  }
0x81: {  	_ =	shalt  }
0x82: {  	_ =	shalt  }
0x83: {  	_ =	shalt  }
0x84: {  	_ =	shalt  }
0x85: {  	_ =	shalt  }
0x86: {  	_ =	shalt  }
0x87: {  	_ =	shalt  }
.Lfunc_end0:
.L_simem_size_0:
called_computation_lowered:
.L_overlay_start_0:
0x88: {  	s2 =	sld [smem:$0x3FD9]  }
0x89: {  	s3 =	sld [smem:$0x3FFE];
	_ =	sdelay $0x1  }
0x8a: {  	s1 =	srdreg.scid  }
0x8b: {  	s0 =	sand.u32 $0x1, s1  }
0x8c: {  	s14 =	sshll.u32 s0, $0xA;
	s2 =	sadd.s32 s3, s2  }
0x8d: {  	s2 =	sadd.s32 s2, s14  }
0x8e: {  	[smem:$0x3FC6] =	sst s2  }
0x8f: {  	_ = 	snop  }
0x90: {  	s2 =	sld [smem:$0x3FD0];
	_ =	sdelay $0x2  }
0x91: {  	s15 =	simm.s32 $0xA;
	s4 =	simm.s32 $0x10  }
0x92: {  	[smem:s4], [sflag:s15] =	dma.local [hbm:s2], $0x1  }
0x93: {  	_ =	swait.eq [sflag:s15], $0x1  }
0x94: {  	[sflag:s15] =	ssyncset.done $0x0  }
0x95: {  	[sflag:s15] =	ssyncadd.s32 $0xFFFFFFFF  }
0x96: {  	s16 =	sld [smem:$0x10];
	(tm) =	ssettm $0x1  }
0x97: {  	s17 =	sld [smem:$0x3FFB];
	_ =	sdelay $0x3  }
0x98: {  	_ =	strace s17  }
0x99: {  	s3 =	sld [smem:$0x3FFC];
	_ =	sdelay $0x3  }
0x9a: {  	_ =	strace s3  }
0x9b: {  	s3 =	sld [smem:$0x3FFD];
	_ =	sdelay $0x3  }
0x9c: {  	_ =	strace s3  }
0x9d: {  	_ =	strace $0x8FFFFFFF  }
0x9e: {  	s18 =	sld [smem:$0x3FDB];
	_ =	sdelay $0x1  }
0x9f: {  	s19 =	simm.s32 $_scs_section_size  }
0xa0: {  	s5 =	simm.s32 $_size__tile_overlayer_lowered;
	s6 =	simm.s32 $_tile_overlayer_lowered  }
0xa1: {  	s22 =	simm.s32 $0x1BFF;
	s21 =	sshll.u32 s6, $0x1;
	s3 =	sadd.s32 s19, s18  }
0xa2: {  	s7 =	simm.s32 $0x0;
	s20 =	sshll.u32 s5, $0x1;
	s5 =	sadd.s32 s21, s3  }
0xa3: {  	[timem:s7], [sflag:s22] =	dma.local [hbm:s5], s20  }
0xa4: {  	_ =	swait.ge [sflag:s22], s20  }
0xa5: {  	s4 =	ssub.s32 $0x0, s20;
	[sflag:s22] =	ssyncset.done $0x0  }
0xa6: {  	[sflag:s22] =	ssyncadd.s32 s4;
	_ =	sdelay $0x1  }
0xa7: {  	s23 =	simm.s32 $0x1B8B  }
0xa8: {  	_ =	swait.ge [sflag:s23], $0x1  }
0xa9: {  	[sflag:s23] =	ssyncset.done $0x0  }
0xaa: {  	s25 =	simm.s32 $0x1B8E;
	s24 =	sld [smem:$0x3FFE];
	[sflag:s23] =	ssyncadd.s32 $0xFFFFFFFF  }
0xab: {  	s26 =	simm.s32 $execute0_lowered;
	[smem:$0x3FD2] =	sst s25  }
0xac: {  	s5 =	sshll.u32 s26, $0x1;
	_ =	strace $0x80000046;
	[dreg:$0x1] =	wrdreg $0xFFFFFFFF  }
0xad: {  	s28 =	simm.s32 $_size_execute0_lowered;
	s3 =	sadd.s32 s3, s5;
	[dreg:$0x0] =	wrdreg $0x0  }
0xae: {  	s5 =	sshll.u32 s28, $0x1;
	[dreg:$0x2] =	wrdreg s3  }
0xaf: {  	[dreg:$0x3] =	wrdreg s5  }
0xb0: {  	[dreg:$0x4] =	wrdreg $0xC0  }
0xb1: {  	_ =	task [dreg:s7], $0x5FFFF  }
0xb2: {  	[dreg:$0x1] =	wrdreg $0xFFFFFFFF  }
0xb3: {  	[dreg:$0x0] =	wrdreg $0x60  }
0xb4: {  	[dreg:$0x2] =	wrdreg s16  }
0xb5: {  	[dreg:$0x3] =	wrdreg s24  }
0xb6: {  	[dreg:$0x4] =	wrdreg $0xC000  }
0xb7: {  	[dreg:$0x5] =	wrdreg $0xD080  }
0xb8: {  	[dreg:$0x6] =	wrdreg $0x9  }
0xb9: {  	_ =	task.clear_ibuf [dreg:s7], $0x7FFFF;
	_ =	strace $0x90000046  }
0xba: {  	s29 =	simm.s32 $0x9;
	_ =	strace $0x80000048  }
0xbb: {  	_ =	swait.ge [sflag:s29], $0x1  }
0xbc: {  	[sflag:s29] =	ssyncadd.s32 $0xFFFFFFFF  }
0xbd: {  	_ =	strace $0x90000048  }
0xbe: {  	_ =	sfence  }
0xbf: {  	s30 =	sld [smem:$0x0];
	_ =	sdelay $0x2  }
0xc0: {  	s31 =	sshll.u32 s1, $0xD;
	s1 =	sshrl.u32 s1, $0x2  }
0xc1: {  	s3 =	sand.u32 $0x4000, s31;
	s1 =	sadd.s32 s1, s30  }
0xc2: {  	s0 =	sor.u32 s3, s0;
	s1 =	sshll.u32 s1, $0x11  }
0xc3: {  	s0 =	sor.u32 s1, s0  }
0xc4: {  	s0 =	sadd.s32 $0x8F2B, s0  }
0xc5: {  	[sflag:s0] =	ssyncadd.remote.s32 $0x1  }
0xc6: {  	_ =	sfence.sel $0xFFFF  }
0xc7: {  	[dreg:$0x0] =	wrdreg $0xFFFFFFFF;
	(pc) =	sbr.abs _section_cstart, $3  }
0xc8: {  	[dreg:$0x1] =	wrdreg $0xFFFFFFFF  }
0xc9: {  	_ =	task.clear_ibuf [dreg:s7], $0x2FFFF;
	_ =	strace $0x9FFFFFFF  }
0xca: {  	(tm) =	ssettm $0x7FFFFFFF  }
0xcb: {  	_ =	shalt  }
tec
execute0_lowered:
.L_overlay_start_1:
0x0: {  	(tag) =	ssettag $0x1  }
0x1: {  	s1 =	srdreg.scid  }
0x2: {  	s1 =	sand.u32 $0x1, s1  }
0x3: {  	s6 =	rddreg [dreg:$0x0];
	p0 =	seq.s32 s1, $0x1  }
.Ltmp0:
0x4: {  	s2 =	rddreg [dreg:$0x1];
	(pc) =	sbr.rel @p0 .LBB2_2-.Ltmp0, $4  }
0x5: {  	s5 =	rddreg [dreg:$0x2]  }
0x6: {  	s3 =	rddreg [dreg:$0x3];
	s7 =	simm.s32 $0x0  }
0x7: {  	[smem:$0x7FF] =	sst s7  }
0x8: {  	s0 =	rddreg [dreg:$0x4];
	_ =	strace $0x80000047;
	s1 =	stileid.u32  }
0x9: {  	s4 =	sadd.s32 $0x2800, s2;
	s8 =	sshll.u32 s1, $0x7  }
0xa: {  	s9 =	simm.s32 $0x400;
	s4 =	sadd.s32 s4, s8  }
0xb: {  	[tilespmem:s9], [sflag:$0x1] =	stream.linear.gather [hbm4b:s4+s7], $0x400, $0x38;
	[tilespmem:$0xE10] =	vst v63  }
0xc: {  	s4 =	simm.s32 $0x1  }
0xd: {  	_ =	swait.ge [sflag:s4], $0x400  }
0xe: {  	[sflag:s4] =	ssyncset.done $0x0  }
0xf: {  	s6 =	sadd.s32 s6, s8;
	[sflag:s4] =	ssyncadd.s32 $0xFFFFFC00  }
0x10: {  	[tilespmem:s7], [sflag:$0x1] =	stream.linear.gather [hbm4b:s6+s7], $0x400, $0x38;
	[tilespmem:$0xE10] =	vst v63  }
0x11: {  	_ =	swait.ge [sflag:s4], $0x400  }
0x12: {  	s23 =	sadd.s32 $0x2000, s2;
	[sflag:s4] =	ssyncset.done $0x0  }
0x13: {  	s24 =	simm.s32 $0x800;
	s6 =	sadd.s32 s23, s8;
	[sflag:s4] =	ssyncadd.s32 $0xFFFFFC00  }
0x14: {  	[tilespmem:s24], [sflag:$0x1] =	stream.linear.gather [hbm4b:s6+s7], $0x400, $0x38;
	[tilespmem:$0xE10] =	vst v63  }
0x15: {  	_ =	swait.ge [sflag:s4], $0x400  }
0x16: {  	[sflag:s4] =	ssyncset.done $0x0  }
0x17: {  	s25 =	simm.s32 $0x80;
	[sflag:s4] =	ssyncadd.s32 $0xFFFFFC00  }
0x18: {  	[spmem:s5] =	stream.indirect.scatter [tilespmem:s24], [sflag:$0x1], $0x1, s9, s25, $0xb8;
	[tilespmem:$0xE10] =	vst v63  }
0x19: {  	_ =	swait.ge [sflag:s4], $0x80  }
0x1a: {  	[sflag:s4] =	ssyncset.done $0x0  }
0x1b: {  	[sflag:s4] =	ssyncadd.s32 $0xFFFFFF80  }
0x1c: {  	[spmem:s3] =	stream.indirect.scatter [tilespmem:s7], [sflag:$0x1], $0x1, s9, s25, $0xb8;
	[tilespmem:$0xE10] =	vst v63  }
0x1d: {  	_ =	swait.ge [sflag:s4], $0x80  }
0x1e: {  	[sflag:s4] =	ssyncset.done $0x0  }
0x1f: {  	s26 =	simm.s32 $0x480;
	s28 =	simm.s32 $0x880;
	[sflag:s4] =	ssyncadd.s32 $0xFFFFFF80  }
0x20: {  	[spmem:s5] =	stream.indirect.scatter [tilespmem:s28], [sflag:$0x1], $0x1, s26, s25, $0xb8;
	[tilespmem:$0xE10] =	vst v63  }
0x21: {  	_ =	swait.ge [sflag:s4], $0x80  }
0x22: {  	[sflag:s4] =	ssyncset.done $0x0  }
0x23: {  	[sflag:s4] =	ssyncadd.s32 $0xFFFFFF80  }
0x24: {  	[spmem:s3] =	stream.indirect.scatter [tilespmem:s25], [sflag:$0x1], $0x1, s26, s25, $0xb8;
	[tilespmem:$0xE10] =	vst v63  }
0x25: {  	_ =	swait.ge [sflag:s4], $0x80  }
0x26: {  	[sflag:s4] =	ssyncset.done $0x0  }
0x27: {  	s29 =	simm.s32 $0x500;
	s30 =	simm.s32 $0x900;
	[sflag:s4] =	ssyncadd.s32 $0xFFFFFF80  }
0x28: {  	[spmem:s5] =	stream.indirect.scatter [tilespmem:s30], [sflag:$0x1], $0x1, s29, s25, $0xb8;
	[tilespmem:$0xE10] =	vst v63  }
0x29: {  	_ =	swait.ge [sflag:s4], $0x80  }
0x2a: {  	[sflag:s4] =	ssyncset.done $0x0  }
0x2b: {  	s31 =	simm.s32 $0x100;
	[sflag:s4] =	ssyncadd.s32 $0xFFFFFF80  }
0x2c: {  	[spmem:s3] =	stream.indirect.scatter [tilespmem:s31], [sflag:$0x1], $0x1, s29, s25, $0xb8;
	[tilespmem:$0xE10] =	vst v63  }
0x2d: {  	_ =	swait.ge [sflag:s4], $0x80  }
0x2e: {  	[sflag:s4] =	ssyncset.done $0x0  }
0x2f: {  	s10 =	simm.s32 $0x980;
	s9 =	simm.s32 $0x580;
	[sflag:s4] =	ssyncadd.s32 $0xFFFFFF80  }
0x30: {  	[spmem:s5] =	stream.indirect.scatter [tilespmem:s10], [sflag:$0x1], $0x1, s9, s25, $0xb8;
	[tilespmem:$0xE10] =	vst v63  }
0x31: {  	_ =	swait.ge [sflag:s4], $0x80  }
0x32: {  	[sflag:s4] =	ssyncset.done $0x0  }
0x33: {  	s11 =	simm.s32 $0x180;
	[sflag:s4] =	ssyncadd.s32 $0xFFFFFF80  }
0x34: {  	[spmem:s3] =	stream.indirect.scatter [tilespmem:s11], [sflag:$0x1], $0x1, s9, s25, $0xb8;
	[tilespmem:$0xE10] =	vst v63  }
0x35: {  	_ =	swait.ge [sflag:s4], $0x80  }
0x36: {  	[sflag:s4] =	ssyncset.done $0x0  }
0x37: {  	s12 =	simm.s32 $0x600;
	s13 =	simm.s32 $0xA00;
	[sflag:s4] =	ssyncadd.s32 $0xFFFFFF80  }
0x38: {  	[spmem:s5] =	stream.indirect.scatter [tilespmem:s13], [sflag:$0x1], $0x1, s12, s25, $0xb8;
	[tilespmem:$0xE10] =	vst v63  }
0x39: {  	_ =	swait.ge [sflag:s4], $0x80  }
0x3a: {  	[sflag:s4] =	ssyncset.done $0x0  }
0x3b: {  	s14 =	simm.s32 $0x200;
	[sflag:s4] =	ssyncadd.s32 $0xFFFFFF80  }
0x3c: {  	[spmem:s3] =	stream.indirect.scatter [tilespmem:s14], [sflag:$0x1], $0x1, s12, s25, $0xb8;
	[tilespmem:$0xE10] =	vst v63  }
0x3d: {  	_ =	swait.ge [sflag:s4], $0x80  }
0x3e: {  	[sflag:s4] =	ssyncset.done $0x0  }
0x3f: {  	s15 =	simm.s32 $0x680;
	s16 =	simm.s32 $0xA80;
	[sflag:s4] =	ssyncadd.s32 $0xFFFFFF80  }
0x40: {  	[spmem:s5] =	stream.indirect.scatter [tilespmem:s16], [sflag:$0x1], $0x1, s15, s25, $0xb8;
	[tilespmem:$0xE10] =	vst v63  }
0x41: {  	_ =	swait.ge [sflag:s4], $0x80  }
0x42: {  	[sflag:s4] =	ssyncset.done $0x0  }
0x43: {  	s17 =	simm.s32 $0x280;
	[sflag:s4] =	ssyncadd.s32 $0xFFFFFF80  }
0x44: {  	[spmem:s3] =	stream.indirect.scatter [tilespmem:s17], [sflag:$0x1], $0x1, s15, s25, $0xb8;
	[tilespmem:$0xE10] =	vst v63  }
0x45: {  	_ =	swait.ge [sflag:s4], $0x80  }
0x46: {  	[sflag:s4] =	ssyncset.done $0x0  }
0x47: {  	s18 =	simm.s32 $0x700;
	s19 =	simm.s32 $0xB00;
	[sflag:s4] =	ssyncadd.s32 $0xFFFFFF80  }
0x48: {  	[spmem:s5] =	stream.indirect.scatter [tilespmem:s19], [sflag:$0x1], $0x1, s18, s25, $0xb8;
	[tilespmem:$0xE10] =	vst v63  }
0x49: {  	_ =	swait.ge [sflag:s4], $0x80  }
0x4a: {  	[sflag:s4] =	ssyncset.done $0x0  }
0x4b: {  	s20 =	simm.s32 $0x300;
	[sflag:s4] =	ssyncadd.s32 $0xFFFFFF80  }
0x4c: {  	[spmem:s3] =	stream.indirect.scatter [tilespmem:s20], [sflag:$0x1], $0x1, s18, s25, $0xb8;
	[tilespmem:$0xE10] =	vst v63  }
0x4d: {  	_ =	swait.ge [sflag:s4], $0x80  }
0x4e: {  	[sflag:s4] =	ssyncset.done $0x0  }
0x4f: {  	s21 =	simm.s32 $0x780;
	s22 =	simm.s32 $0xB80;
	[sflag:s4] =	ssyncadd.s32 $0xFFFFFF80  }
0x50: {  	[spmem:s5] =	stream.indirect.scatter [tilespmem:s22], [sflag:$0x1], $0x1, s21, s25, $0xb8;
	[tilespmem:$0xE10] =	vst v63  }
0x51: {  	_ =	swait.ge [sflag:s4], $0x80  }
0x52: {  	[sflag:s4] =	ssyncset.done $0x0  }
0x53: {  	s23 =	simm.s32 $0x380;
	[sflag:s4] =	ssyncadd.s32 $0xFFFFFF80  }
0x54: {  	[spmem:s3] =	stream.indirect.scatter [tilespmem:s23], [sflag:$0x1], $0x1, s21, s25, $0xb8;
	[tilespmem:$0xE10] =	vst v63  }
0x55: {  	s24 =	sadd.s32 $0x3000, s2;
	s26 =	sshll.u32 s1, $0x5;
	_ =	swait.ge [sflag:s4], $0x80  }
0x56: {  	s6 =	sadd.s32 s24, s26;
	s25 =	sshll.u32 s1, $0x8;
	[sflag:s4] =	ssyncset.done $0x0  }
0x57: {  	s29 =	sshll.u32 s1, $0x6;
	s28 =	sadd.s32 s25, s5;
	[sflag:s4] =	ssyncadd.s32 $0xFFFFFF80  }
0x58: {  	s9 =	sor.u32 $0x1C01, s29;
	s5 =	sshrl.u32 s28, $0x3;
	[bflag:$0x0] =	sbarrier.arrive $0xFFFF  }
0x59: {  	[hbm:s6], [sflag:s9] =	dma.local [spmem:s5], $0x20  }
0x5a: {  	_ =	swait.ge [sflag:s4], $0x20  }
0x5b: {  	s30 =	sadd.s32 $0x3400, s2;
	s31 =	sadd.s32 s25, s3;
	[sflag:s4] =	ssyncset.done $0x0  }
0x5c: {  	s2 =	sadd.s32 s30, s26;
	s3 =	sshrl.u32 s31, $0x3;
	[sflag:s4] =	ssyncadd.s32 $0xFFFFFFE0  }
0x5d: {  	[hbm:s2], [sflag:s9] =	dma.local [spmem:s3], $0x20  }
0x5e: {  	_ =	swait.ge [sflag:s4], $0x20  }
0x5f: {  	[sflag:s4] =	ssyncset.done $0x0  }
0x60: {  	[sflag:s4] =	ssyncadd.s32 $0xFFFFFFE0  }
.LBB2_2:
0x61: {  	_ =	sfence.sel $0x180000  }
0x62: {  	[bflag:$0x0] =	sbarrier.arrive $0xFFFF  }
0x63: {  	p0 =	sne.s32 s1, $0x0;
	_ =	strace $0x90000047  }
0x64: {  	s0 =	sadd.s32 @!p0 $0x100000, s0;
	[bflag:$0x2] =	sbarrier.arrive $0xFFFF  }
0x65: {  	[sflag:s0] =	ssyncadd.tile.s32 @!p0 $0x1;
	_ =	shalt  }
.Lfunc_end2:
_tile_overlayer_lowered:
.L_overlay_start_2:
0x66: {  	(tag) =	ssettag $0x2  }
0x67: {  	s0 =	rddreg [dreg:$0x0];
	s2 =	stileid.u32  }
0x68: {  	s1 =	rddreg [dreg:$0x1];
	p0 =	sne.s32 s2, $0x0  }
0x69: {  	s3 =	rddreg [dreg:$0x2];
	[bflag:$0x3] =	sbarrier.arrive $0xFFFF;
	s2 =	simm.s32 @!p0 $0x1C01  }
0x6a: {  	[timem:s3], [sflag:s2] =	dma.local @!p0 [hbm:s0], s1  }
0x6b: {  	s0 =	simm.s32 @!p0 $0x1  }
0x6c: {  	_ =	swait.ge @!p0 [sflag:s0], s1  }
0x6d: {  	s1 =	ssub.s32 @!p0 $0x0, s1;
	[sflag:s0] =	ssyncset.done @!p0 $0x0  }
0x6e: {  	[sflag:s0] =	ssyncadd.s32 @!p0 s1  }
0x6f: {  	[bflag:$0x3] =	sbarrier.arrive $0xFFFF  }
0x70: {  	_ =	shalt  }

</sc_bundles>
